<compile_context>
chip_gen: v7x
topology: tpu7x:2x2x1
jax: 0.10.2.dev20260603
libtpu: 0.0.44.dev20260713+nightly
codegen_flags: <defaults>
</compile_context>

<pallas_src>
import functools

import jax
import jax.numpy as jnp
from jax import lax
from jax.experimental import pallas as pl
from jax.experimental.pallas import tpu as pltpu
from jax.experimental.pallas import tpu_sc as plsc

N = 10000
D = 128
G = 64
CH = 128
NSUB = 16
NPAD = N + 16
ZROWS = NPAD // NSUB
OROWS = 624
OLAST = N - (NSUB - 1) * OROWS


def _segsum_pair(table, eidx, cpw):
    mesh = plsc.VectorSubcoreMesh(core_axis_name="c", subcore_axis_name="s")

    RING = 2

    @functools.partial(
        pl.kernel,
        out_type=jax.ShapeDtypeStruct((2, N, D), jnp.float32),
        mesh=mesh,
        scratch_types=(
            [pltpu.VMEM((2, CH), jnp.int32) for _ in range(RING)]
            + [pltpu.VMEM((CH, D), jnp.float32) for _ in range(RING)]
            + [pltpu.VMEM((CH, D), jnp.float32)]
            + [pltpu.VMEM_SHARED((NPAD, D), jnp.float32)]
            + [pltpu.SemaphoreType.DMA] * (2 * RING)
        ),
    )
    def k(table_hbm, eidx_hbm, out_hbm, *scr):
        idx = scr[0:RING]
        rows = scr[RING:2 * RING]
        zbuf = scr[2 * RING]
        acc = scr[2 * RING + 1]
        sems = scr[2 * RING + 2:]
        isem = sems[0:RING]
        gsem = sems[RING:2 * RING]
        c = lax.axis_index("c")
        s = lax.axis_index("s")

        def start_idx(j, i):
            pltpu.async_copy(eidx_hbm.at[c, s, j], idx[i], isem[i])

        def wait_idx(i):
            pltpu.make_async_copy(eidx_hbm.at[c, s, 0], idx[i], isem[i]).wait()

        def start_gather(b, i):
            pltpu.async_copy(table_hbm.at[idx[i].at[0]], rows[b], gsem[b])

        def wait_gather(b):
            pltpu.make_async_copy(table_hbm.at[pl.ds(0, CH)], rows[b],
                                  gsem[b]).wait()

        start_idx(0, 0)
        start_idx(1, 1)

        @pl.loop(0, CH)
        def _(r):
            @pl.loop(0, D, step=16)
            def _(col):
                zbuf.at[pl.ds(r, 1), pl.ds(col, 16)][...] = jnp.zeros(
                    (1, 16), jnp.float32)

        base = s * ZROWS
        pltpu.sync_copy(zbuf.at[pl.ds(0, CH)], acc.at[pl.ds(base, CH)])
        pltpu.sync_copy(zbuf.at[pl.ds(0, CH)], acc.at[pl.ds(base + CH, CH)])
        pltpu.sync_copy(zbuf.at[pl.ds(0, CH)],
                        acc.at[pl.ds(base + 2 * CH, CH)])
        pltpu.sync_copy(zbuf.at[pl.ds(0, CH)],
                        acc.at[pl.ds(base + 3 * CH, CH)])
        pltpu.sync_copy(zbuf.at[pl.ds(0, ZROWS - 4 * CH)],
                        acc.at[pl.ds(base + 4 * CH, ZROWS - 4 * CH)])
        plsc.subcore_barrier()

        wait_idx(0)
        start_gather(0, 0)

        @pl.loop(0, cpw - 2, step=2)
        def _(jj):
            for b in (0, 1):
                j = jj + b
                wait_idx(1 - b)
                start_gather(1 - b, 1 - b)
                wait_gather(b)
                pltpu.sync_copy(rows[b], acc.at[idx[b].at[1]], add=True)
                start_idx(j + 2, b)

        wait_idx(1)
        start_gather(1, 1)
        wait_gather(0)
        pltpu.sync_copy(rows[0], acc.at[idx[0].at[1]], add=True)
        wait_gather(1)
        pltpu.sync_copy(rows[1], acc.at[idx[1].at[1]], add=True)
        plsc.subcore_barrier()
        ob = s * OROWS

        @pl.when(s < NSUB - 1)
        def _():
            pltpu.sync_copy(acc.at[pl.ds(ob, OROWS)],
                            out_hbm.at[c, pl.ds(ob, OROWS)])

        @pl.when(s == NSUB - 1)
        def _():
            pltpu.sync_copy(acc.at[pl.ds((NSUB - 1) * OROWS, OLAST)],
                            out_hbm.at[c, pl.ds((NSUB - 1) * OROWS, OLAST)])

    return k(table, eidx)


def _dot_t(a, w):
    return lax.dot_general(a, w, (((1,), (1,)), ((), ())),
                           preferred_element_type=jnp.float32)


def _tc_layer(x, s0, s1, Wa, ba, Wb, bb):
    def body(x_ref, s0_ref, s1_ref, wa_ref, ba_ref, wb_ref, bb_ref, o_ref):
        m0 = _dot_t(x_ref[...] + s0_ref[...], wa_ref[...])
        m1 = _dot_t(x_ref[...] + s1_ref[...], wb_ref[...])
        o_ref[...] = jnp.maximum(m0 + ba_ref[...] + m1 + bb_ref[...], 0.0)

    return pl.pallas_call(
        body,
        out_shape=jax.ShapeDtypeStruct((N, D), jnp.float32),
    )(x, s0, s1, Wa, ba.reshape(1, D), Wb, bb.reshape(1, D))


def _tc_final(h, s0, s1, Wa, ba, Wb, bb, batch2d, Wh0, bh0, Wh1, bh1, out_dim):
    def body(h_ref, s0_ref, s1_ref, wa_ref, ba_ref, wb_ref, bb_ref, b_ref,
             wh0_ref, bh0_ref, wh1_ref, bh1_ref, o_ref):
        m0 = _dot_t(h_ref[...] + s0_ref[...], wa_ref[...])
        m1 = _dot_t(h_ref[...] + s1_ref[...], wb_ref[...])
        h2 = jnp.maximum(m0 + ba_ref[...] + m1 + bb_ref[...], 0.0)
        gids = lax.broadcasted_iota(jnp.int32, (G, N), 0)
        onehot = jnp.where(gids == b_ref[...], 1.0, 0.0)
        sums = jnp.dot(onehot, h2, preferred_element_type=jnp.float32)
        counts = jnp.sum(onehot, axis=1, keepdims=True)
        pooled = sums / jnp.maximum(counts, 1.0)
        z = jnp.maximum(_dot_t(pooled, wh0_ref[...]) + bh0_ref[...], 0.0)
        o_ref[...] = _dot_t(z, wh1_ref[...]) + bh1_ref[...]

    return pl.pallas_call(
        body,
        out_shape=jax.ShapeDtypeStruct((G, out_dim), jnp.float32),
    )(h, s0, s1, Wa, ba.reshape(1, D), Wb, bb.reshape(1, D), batch2d,
      Wh0, bh0.reshape(1, D), Wh1, bh1.reshape(1, out_dim))


def kernel(x, edge_index_e0, edge_index_e1, batch,
           W0_e0, b0_e0, W0_e1, b0_e1,
           W1_e0, b1_e0, W1_e1, b1_e1,
           Wh0, bh0, Wh1, bh1):
    e = edge_index_e0.shape[1]
    cpw = -(-e // (NSUB * CH))
    cpw += cpw % 2
    epad = NSUB * CH * cpw
    pad = epad - e

    def prep(ei):
        src = jnp.concatenate([ei[0], jnp.zeros((pad,), jnp.int32)])
        dst = jnp.concatenate([ei[1], jnp.full((pad,), N, jnp.int32)])
        return src, dst

    s0_, d0_ = prep(edge_index_e0)
    s1_, d1_ = prep(edge_index_e1)
    src = jnp.stack([s0_, s1_]).reshape(2, NSUB, cpw, CH)
    dst = jnp.stack([d0_, d1_]).reshape(2, NSUB, cpw, CH)
    eidx = jnp.stack([src, dst], axis=3)

    agg0 = _segsum_pair(x, eidx, cpw)
    h1 = _tc_layer(x, agg0[0], agg0[1], W0_e0, b0_e0, W0_e1, b0_e1)
    agg1 = _segsum_pair(h1, eidx, cpw)
    out = _tc_final(h1, agg1[0], agg1[1], W1_e0, b1_e0, W1_e1, b1_e1,
                    batch.reshape(1, N), Wh0, bh0, Wh1, bh1, Wh1.shape[0])
    return out

# --- scband reference (transcript-rebuilt; emitter-appended) ---
"""Pipeline reference for scband-hetero-gnn-pool-8907762172069 (READ-ONLY COPY).

The authoritative reference and input builder live on the scoring server;
editing this copy changes nothing except your own understanding.
"""

import jax, jax.numpy as jnp
import numpy as np

N = 10000      # nodes
E = 320000     # edges per edge type
D = 128        # in_channels
H = 128        # hidden_channels
OUT = 64       # out_channels
G = 64         # number of graphs for pooling


def setup_inputs(seed: int = 0) -> dict:
    key = jax.random.key(seed)
    ks = jax.random.split(key, 20)
    inp = {}
    inp["x"] = jax.random.normal(ks[0], (N, D), dtype=jnp.float32)
    inp["edge_index_e0"] = jax.random.randint(ks[1], (2, E), 0, N, dtype=jnp.int32)
    inp["edge_index_e1"] = jax.random.randint(ks[2], (2, E), 0, N, dtype=jnp.int32)
    inp["batch"] = jnp.sort(jax.random.randint(ks[3], (N,), 0, G, dtype=jnp.int32))
    # GCN layer 0 (in -> hidden), one conv per edge type
    inp["W0_e0"] = 0.05 * jax.random.normal(ks[4], (H, D), dtype=jnp.float32)
    inp["b0_e0"] = jnp.zeros((H,), dtype=jnp.float32)
    inp["W0_e1"] = 0.05 * jax.random.normal(ks[5], (H, D), dtype=jnp.float32)
    inp["b0_e1"] = jnp.zeros((H,), dtype=jnp.float32)
    # GCN layer 1 (hidden -> hidden)
    inp["W1_e0"] = 0.05 * jax.random.normal(ks[6], (H, H), dtype=jnp.float32)
    inp["b1_e0"] = jnp.zeros((H,), dtype=jnp.float32)
    inp["W1_e1"] = 0.05 * jax.random.normal(ks[7], (H, H), dtype=jnp.float32)
    inp["b1_e1"] = jnp.zeros((H,), dtype=jnp.float32)
    # prediction head: Linear(H, H) -> relu -> Linear(H, OUT)
    inp["Wh0"] = 0.05 * jax.random.normal(ks[8], (H, H), dtype=jnp.float32)
    inp["bh0"] = jnp.zeros((H,), dtype=jnp.float32)
    inp["Wh1"] = 0.05 * jax.random.normal(ks[9], (OUT, H), dtype=jnp.float32)
    inp["bh1"] = jnp.zeros((OUT,), dtype=jnp.float32)
    return inp


def _gcn(x, edge_index, W, b):
    # PyG GCNConv with normalize=False, add_self_loops=True:
    # h = x @ W^T ; out_i = sum_{j->i} h_j + h_i (self loop) + b
    h = x @ W.T
    src, dst = edge_index[0], edge_index[1]
    agg = jax.ops.segment_sum(h[src], dst, num_segments=x.shape[0])
    return agg + h + b


def reference(x, edge_index_e0, edge_index_e1, batch,
              W0_e0, b0_e0, W0_e1, b0_e1,
              W1_e0, b1_e0, W1_e1, b1_e1,
              Wh0, bh0, Wh1, bh1):
    # Layer 0: HeteroConv(aggr='sum') over two edge types, then activation
    h = _gcn(x, edge_index_e0, W0_e0, b0_e0) + _gcn(x, edge_index_e1, W0_e1, b0_e1)
    h = jax.nn.relu(h)
    # Layer 1
    h = _gcn(h, edge_index_e0, W1_e0, b1_e0) + _gcn(h, edge_index_e1, W1_e1, b1_e1)
    h = jax.nn.relu(h)
    # global mean pool per graph
    sums = jax.ops.segment_sum(h, batch, num_segments=G)
    counts = jax.ops.segment_sum(jnp.ones((h.shape[0],), dtype=h.dtype), batch, num_segments=G)
    pooled = sums / jnp.clip(counts, 1.0)[:, None]
    # prediction head (2 layers, relu, no residual, no dropout at eval)
    z = jax.nn.relu(pooled @ Wh0.T + bh0)
    out = z @ Wh1.T + bh1
    return out

if __name__ == "__main__":
    import jax
    _d = setup_inputs()
    print(jax.jit(kernel)(*tuple(_d.values())))

</pallas_src>

<mosaic_0001>
#map = affine_map<(d0, d1) -> (0, 0)>
#map1 = affine_map<(d0, d1) -> (0, 0, 0, 0, 0)>
#map2 = affine_map<(d0, d1) -> (0, 0, 0)>
module attributes {stable_mosaic.version = 14 : i64} {
  func.func @k(%arg0: i32, %arg1: i32, %arg2: memref<10000x128xf32, #tpu.memory_space<hbm>>, %arg3: memref<2x16x158x2x128xi32, #tpu.memory_space<hbm>>, %arg4: memref<2x10000x128xf32, #tpu.memory_space<hbm>>, %arg5: memref<2x128xi32, #tpu.memory_space<vmem>>, %arg6: memref<2x128xi32, #tpu.memory_space<vmem>>, %arg7: memref<128x128xf32, #tpu.memory_space<vmem>>, %arg8: memref<128x128xf32, #tpu.memory_space<vmem>>, %arg9: memref<128x128xf32, #tpu.memory_space<vmem>>, %arg10: memref<10016x128xf32, #tpu.memory_space<vmem_shared>>, %arg11: memref<!tpu.dma_semaphore, #tpu.memory_space<semaphore_mem>>, %arg12: memref<!tpu.dma_semaphore, #tpu.memory_space<semaphore_mem>>, %arg13: memref<!tpu.dma_semaphore, #tpu.memory_space<semaphore_mem>>, %arg14: memref<!tpu.dma_semaphore, #tpu.memory_space<semaphore_mem>>) attributes {dimension_semantics = [#tpu.dimension_semantics<core_parallel>, #tpu.dimension_semantics<subcore_parallel>], iteration_bounds = array<i64: 2, 16>, scalar_prefetch = 0 : i64, scratch_operands = 10 : i64, tpu.core_type = #tpu.core_type<sc_vector_subcore>, window_params = [{transform_indices = #map}, {transform_indices = #map1}, {transform_indices = #map2}]} {
    %dma_start3A = arith.constant 0 : i32
    %dma_start3A_0 = arith.constant 0 : i32
    %dma_start3A_1 = arith.constant 0 : i32
    %dma_start3A_2 = tpu.memref_slice %arg3[%arg0, %arg1, %dma_start3A, %dma_start3A_0, %dma_start3A_1] : memref<2x16x158x2x128xi32, #tpu.memory_space<hbm>> -> memref<1x1x1x2x128xi32, #tpu.memory_space<hbm>>
    %dma_start3A_3 = tpu.memref_squeeze %dma_start3A_2 : memref<1x1x1x2x128xi32, #tpu.memory_space<hbm>> -> memref<2x128xi32, #tpu.memory_space<hbm>>
    %dma_start3A_4 = arith.constant 0 : i32
    %dma_start3A_5 = arith.constant 0 : i32
    %dma_start3A_6 = tpu.memref_slice %arg3[%arg0, %arg1, %dma_start3A, %dma_start3A_4, %dma_start3A_5] : memref<2x16x158x2x128xi32, #tpu.memory_space<hbm>> -> memref<1x1x1x2x128xi32, #tpu.memory_space<hbm>>
    %dma_start3A_7 = tpu.memref_squeeze %dma_start3A_6 : memref<1x1x1x2x128xi32, #tpu.memory_space<hbm>> -> memref<2x128xi32, #tpu.memory_space<hbm>>
    tpu.enqueue_dma source(%dma_start3A_7 : memref<2x128xi32, #tpu.memory_space<hbm>>) target(%arg5 : memref<2x128xi32, #tpu.memory_space<vmem>>) target_semaphore(%arg11 : memref<!tpu.dma_semaphore, #tpu.memory_space<semaphore_mem>>)
    %dma_start3A_8 = arith.constant 1 : i32
    %dma_start3A_9 = arith.constant 0 : i32
    %dma_start3A_10 = arith.constant 0 : i32
    %dma_start3A_11 = tpu.memref_slice %arg3[%arg0, %arg1, %dma_start3A_8, %dma_start3A_9, %dma_start3A_10] : memref<2x16x158x2x128xi32, #tpu.memory_space<hbm>> -> memref<1x1x1x2x128xi32, #tpu.memory_space<hbm>>
    %dma_start3A_12 = tpu.memref_squeeze %dma_start3A_11 : memref<1x1x1x2x128xi32, #tpu.memory_space<hbm>> -> memref<2x128xi32, #tpu.memory_space<hbm>>
    %dma_start3A_13 = arith.constant 0 : i32
    %dma_start3A_14 = arith.constant 0 : i32
    %dma_start3A_15 = tpu.memref_slice %arg3[%arg0, %arg1, %dma_start3A_8, %dma_start3A_13, %dma_start3A_14] : memref<2x16x158x2x128xi32, #tpu.memory_space<hbm>> -> memref<1x1x1x2x128xi32, #tpu.memory_space<hbm>>
    %dma_start3A_16 = tpu.memref_squeeze %dma_start3A_15 : memref<1x1x1x2x128xi32, #tpu.memory_space<hbm>> -> memref<2x128xi32, #tpu.memory_space<hbm>>
    tpu.enqueue_dma source(%dma_start3A_16 : memref<2x128xi32, #tpu.memory_space<hbm>>) target(%arg6 : memref<2x128xi32, #tpu.memory_space<vmem>>) target_semaphore(%arg12 : memref<!tpu.dma_semaphore, #tpu.memory_space<semaphore_mem>>)
    %scan3A = arith.constant 0 : i32
    %scan3A_17 = arith.constant 128 : i32
    %scan3A_18 = arith.addi %scan3A, %scan3A_17 : i32
    %scan3A_19 = arith.constant 1 : i32
    scf.for %scan3A_87 = %scan3A to %scan3A_18 step %scan3A_19  : i32 {
      %mul3A_88 = arith.constant 1 : i32
      %mul3A_89 = arith.muli %scan3A_87, %mul3A_88 : i32
      %add3A_90 = arith.constant 0 : i32
      %add3A_91 = arith.addi %add3A_90, %mul3A_89 : i32
      %scan3A_92 = arith.constant 0 : i32
      %scan3A_93 = arith.constant 8 : i32
      %scan3A_94 = arith.addi %scan3A_92, %scan3A_93 : i32
      %scan3A_95 = arith.constant 1 : i32
      scf.for %scan3A_97 = %scan3A_92 to %scan3A_94 step %scan3A_95  : i32 {
        %mul3A_98 = arith.constant 16 : i32
        %mul3A_99 = arith.muli %scan3A_97, %mul3A_98 : i32
        %add3A_100 = arith.constant 0 : i32
        %add3A_101 = arith.addi %add3A_100, %mul3A_99 : i32
        %broadcast_in_dim3A = arith.constant 0.000000e+00 : f32
        %broadcast_in_dim3A_102 = vector.broadcast %broadcast_in_dim3A : f32 to vector<1x16xf32>
        %swap3A = arith.index_cast %add3A_91 : i32 to index
        %swap3A_103 = arith.index_cast %add3A_101 : i32 to index
        %swap3A_104 = tpu.vector_load %arg9[%swap3A, %swap3A_103] {strides = array<i32>} : memref<128x128xf32, #tpu.memory_space<vmem>>, vector<1x16xf32>,
        %swap3A_105 = vector.shape_cast %swap3A_104 : vector<1x16xf32> to vector<1x16xf32>
        %swap3A_106 = vector.shape_cast %broadcast_in_dim3A_102 : vector<1x16xf32> to vector<1x16xf32>
        tpu.vector_store %arg9[%swap3A, %swap3A_103], %swap3A_106 {strides = array<i32>} : memref<128x128xf32, #tpu.memory_space<vmem>>, vector<1x16xf32>,
      }
      %scan3A_96 = arith.constant 8 : i32
    }
    %scan3A_20 = arith.constant 128 : i32
    %mul3A = arith.constant 626 : i32
    %mul3A_21 = arith.muli %arg1, %mul3A : i32
    "tpu.region"() ({
      %run_scoped3A_87 = tpu.sem_alloc : memref<!tpu.dma_semaphore, #tpu.memory_space<semaphore_mem>>
      %dma_start3A_88 = arith.constant 0 : i32
      %dma_start3A_89 = arith.constant 0 : i32
      %dma_start3A_90 = tpu.memref_slice %arg9[%dma_start3A_88, %dma_start3A_89] : memref<128x128xf32, #tpu.memory_space<vmem>> -> memref<128x128xf32, #tpu.memory_space<vmem>>
      %dma_start3A_91 = arith.constant 0 : i32
      %dma_start3A_92 = tpu.memref_slice %arg10[%mul3A_21, %dma_start3A_91] : memref<10016x128xf32, #tpu.memory_space<vmem_shared>> -> memref<128x128xf32, #tpu.memory_space<vmem_shared>>
      %dma_start3A_93 = arith.constant 0 : i32
      %dma_start3A_94 = tpu.memref_slice %arg10[%mul3A_21, %dma_start3A_93] : memref<10016x128xf32, #tpu.memory_space<vmem_shared>> -> memref<128x128xf32, #tpu.memory_space<vmem_shared>>
      %dma_start3A_95 = arith.constant 0 : i32
      %dma_start3A_96 = arith.constant 0 : i32
      %dma_start3A_97 = tpu.memref_slice %arg9[%dma_start3A_95, %dma_start3A_96] : memref<128x128xf32, #tpu.memory_space<vmem>> -> memref<128x128xf32, #tpu.memory_space<vmem>>
      tpu.enqueue_dma source(%dma_start3A_97 : memref<128x128xf32, #tpu.memory_space<vmem>>) target(%dma_start3A_94 : memref<128x128xf32, #tpu.memory_space<vmem_shared>>) target_semaphore(%run_scoped3A_87 : memref<!tpu.dma_semaphore, #tpu.memory_space<semaphore_mem>>)
      %dma_wait3A_98 = arith.constant 0 : i32
      %dma_wait3A_99 = arith.constant 0 : i32
      %dma_wait3A_100 = tpu.memref_slice %arg9[%dma_wait3A_98, %dma_wait3A_99] : memref<128x128xf32, #tpu.memory_space<vmem>> -> memref<128x128xf32, #tpu.memory_space<vmem>>
      %dma_wait3A_101 = arith.constant 0 : i32
      %dma_wait3A_102 = tpu.memref_slice %arg10[%mul3A_21, %dma_wait3A_101] : memref<10016x128xf32, #tpu.memory_space<vmem_shared>> -> memref<128x128xf32, #tpu.memory_space<vmem_shared>>
      %dma_wait3A_103 = arith.constant 0 : i32
      %dma_wait3A_104 = tpu.memref_slice %arg10[%mul3A_21, %dma_wait3A_103] : memref<10016x128xf32, #tpu.memory_space<vmem_shared>> -> memref<128x128xf32, #tpu.memory_space<vmem_shared>>
      %dma_wait3A_105 = arith.constant 0 : i32
      %dma_wait3A_106 = arith.constant 0 : i32
      %dma_wait3A_107 = tpu.memref_slice %arg9[%dma_wait3A_105, %dma_wait3A_106] : memref<128x128xf32, #tpu.memory_space<vmem>> -> memref<128x128xf32, #tpu.memory_space<vmem>>
      tpu.wait_dma2 semaphore(%run_scoped3A_87 : memref<!tpu.dma_semaphore, #tpu.memory_space<semaphore_mem>>) src(%dma_wait3A_107 : memref<128x128xf32, #tpu.memory_space<vmem>>) dst(%dma_wait3A_104 : memref<128x128xf32, #tpu.memory_space<vmem_shared>>)
      tpu.yield
    }) : () -> ()
    %add3A = arith.constant 128 : i32
    %add3A_22 = arith.addi %mul3A_21, %add3A : i32
    "tpu.region"() ({
      %run_scoped3A_87 = tpu.sem_alloc : memref<!tpu.dma_semaphore, #tpu.memory_space<semaphore_mem>>
      %dma_start3A_88 = arith.constant 0 : i32
      %dma_start3A_89 = arith.constant 0 : i32
      %dma_start3A_90 = tpu.memref_slice %arg9[%dma_start3A_88, %dma_start3A_89] : memref<128x128xf32, #tpu.memory_space<vmem>> -> memref<128x128xf32, #tpu.memory_space<vmem>>
      %dma_start3A_91 = arith.constant 0 : i32
      %dma_start3A_92 = tpu.memref_slice %arg10[%add3A_22, %dma_start3A_91] : memref<10016x128xf32, #tpu.memory_space<vmem_shared>> -> memref<128x128xf32, #tpu.memory_space<vmem_shared>>
      %dma_start3A_93 = arith.constant 0 : i32
      %dma_start3A_94 = tpu.memref_slice %arg10[%add3A_22, %dma_start3A_93] : memref<10016x128xf32, #tpu.memory_space<vmem_shared>> -> memref<128x128xf32, #tpu.memory_space<vmem_shared>>
      %dma_start3A_95 = arith.constant 0 : i32
      %dma_start3A_96 = arith.constant 0 : i32
      %dma_start3A_97 = tpu.memref_slice %arg9[%dma_start3A_95, %dma_start3A_96] : memref<128x128xf32, #tpu.memory_space<vmem>> -> memref<128x128xf32, #tpu.memory_space<vmem>>
      tpu.enqueue_dma source(%dma_start3A_97 : memref<128x128xf32, #tpu.memory_space<vmem>>) target(%dma_start3A_94 : memref<128x128xf32, #tpu.memory_space<vmem_shared>>) target_semaphore(%run_scoped3A_87 : memref<!tpu.dma_semaphore, #tpu.memory_space<semaphore_mem>>)
      %dma_wait3A_98 = arith.constant 0 : i32
      %dma_wait3A_99 = arith.constant 0 : i32
      %dma_wait3A_100 = tpu.memref_slice %arg9[%dma_wait3A_98, %dma_wait3A_99] : memref<128x128xf32, #tpu.memory_space<vmem>> -> memref<128x128xf32, #tpu.memory_space<vmem>>
      %dma_wait3A_101 = arith.constant 0 : i32
      %dma_wait3A_102 = tpu.memref_slice %arg10[%add3A_22, %dma_wait3A_101] : memref<10016x128xf32, #tpu.memory_space<vmem_shared>> -> memref<128x128xf32, #tpu.memory_space<vmem_shared>>
      %dma_wait3A_103 = arith.constant 0 : i32
      %dma_wait3A_104 = tpu.memref_slice %arg10[%add3A_22, %dma_wait3A_103] : memref<10016x128xf32, #tpu.memory_space<vmem_shared>> -> memref<128x128xf32, #tpu.memory_space<vmem_shared>>
      %dma_wait3A_105 = arith.constant 0 : i32
      %dma_wait3A_106 = arith.constant 0 : i32
      %dma_wait3A_107 = tpu.memref_slice %arg9[%dma_wait3A_105, %dma_wait3A_106] : memref<128x128xf32, #tpu.memory_space<vmem>> -> memref<128x128xf32, #tpu.memory_space<vmem>>
      tpu.wait_dma2 semaphore(%run_scoped3A_87 : memref<!tpu.dma_semaphore, #tpu.memory_space<semaphore_mem>>) src(%dma_wait3A_107 : memref<128x128xf32, #tpu.memory_space<vmem>>) dst(%dma_wait3A_104 : memref<128x128xf32, #tpu.memory_space<vmem_shared>>)
      tpu.yield
    }) : () -> ()
    %add3A_23 = arith.constant 256 : i32
    %add3A_24 = arith.addi %mul3A_21, %add3A_23 : i32
    "tpu.region"() ({
      %run_scoped3A_87 = tpu.sem_alloc : memref<!tpu.dma_semaphore, #tpu.memory_space<semaphore_mem>>
      %dma_start3A_88 = arith.constant 0 : i32
      %dma_start3A_89 = arith.constant 0 : i32
      %dma_start3A_90 = tpu.memref_slice %arg9[%dma_start3A_88, %dma_start3A_89] : memref<128x128xf32, #tpu.memory_space<vmem>> -> memref<128x128xf32, #tpu.memory_space<vmem>>
      %dma_start3A_91 = arith.constant 0 : i32
      %dma_start3A_92 = tpu.memref_slice %arg10[%add3A_24, %dma_start3A_91] : memref<10016x128xf32, #tpu.memory_space<vmem_shared>> -> memref<128x128xf32, #tpu.memory_space<vmem_shared>>
      %dma_start3A_93 = arith.constant 0 : i32
      %dma_start3A_94 = tpu.memref_slice %arg10[%add3A_24, %dma_start3A_93] : memref<10016x128xf32, #tpu.memory_space<vmem_shared>> -> memref<128x128xf32, #tpu.memory_space<vmem_shared>>
      %dma_start3A_95 = arith.constant 0 : i32
      %dma_start3A_96 = arith.constant 0 : i32
      %dma_start3A_97 = tpu.memref_slice %arg9[%dma_start3A_95, %dma_start3A_96] : memref<128x128xf32, #tpu.memory_space<vmem>> -> memref<128x128xf32, #tpu.memory_space<vmem>>
      tpu.enqueue_dma source(%dma_start3A_97 : memref<128x128xf32, #tpu.memory_space<vmem>>) target(%dma_start3A_94 : memref<128x128xf32, #tpu.memory_space<vmem_shared>>) target_semaphore(%run_scoped3A_87 : memref<!tpu.dma_semaphore, #tpu.memory_space<semaphore_mem>>)
      %dma_wait3A_98 = arith.constant 0 : i32
      %dma_wait3A_99 = arith.constant 0 : i32
      %dma_wait3A_100 = tpu.memref_slice %arg9[%dma_wait3A_98, %dma_wait3A_99] : memref<128x128xf32, #tpu.memory_space<vmem>> -> memref<128x128xf32, #tpu.memory_space<vmem>>
      %dma_wait3A_101 = arith.constant 0 : i32
      %dma_wait3A_102 = tpu.memref_slice %arg10[%add3A_24, %dma_wait3A_101] : memref<10016x128xf32, #tpu.memory_space<vmem_shared>> -> memref<128x128xf32, #tpu.memory_space<vmem_shared>>
      %dma_wait3A_103 = arith.constant 0 : i32
      %dma_wait3A_104 = tpu.memref_slice %arg10[%add3A_24, %dma_wait3A_103] : memref<10016x128xf32, #tpu.memory_space<vmem_shared>> -> memref<128x128xf32, #tpu.memory_space<vmem_shared>>
      %dma_wait3A_105 = arith.constant 0 : i32
      %dma_wait3A_106 = arith.constant 0 : i32
      %dma_wait3A_107 = tpu.memref_slice %arg9[%dma_wait3A_105, %dma_wait3A_106] : memref<128x128xf32, #tpu.memory_space<vmem>> -> memref<128x128xf32, #tpu.memory_space<vmem>>
      tpu.wait_dma2 semaphore(%run_scoped3A_87 : memref<!tpu.dma_semaphore, #tpu.memory_space<semaphore_mem>>) src(%dma_wait3A_107 : memref<128x128xf32, #tpu.memory_space<vmem>>) dst(%dma_wait3A_104 : memref<128x128xf32, #tpu.memory_space<vmem_shared>>)
      tpu.yield
    }) : () -> ()
    %add3A_25 = arith.constant 384 : i32
    %add3A_26 = arith.addi %mul3A_21, %add3A_25 : i32
    "tpu.region"() ({
      %run_scoped3A_87 = tpu.sem_alloc : memref<!tpu.dma_semaphore, #tpu.memory_space<semaphore_mem>>
      %dma_start3A_88 = arith.constant 0 : i32
      %dma_start3A_89 = arith.constant 0 : i32
      %dma_start3A_90 = tpu.memref_slice %arg9[%dma_start3A_88, %dma_start3A_89] : memref<128x128xf32, #tpu.memory_space<vmem>> -> memref<128x128xf32, #tpu.memory_space<vmem>>
      %dma_start3A_91 = arith.constant 0 : i32
      %dma_start3A_92 = tpu.memref_slice %arg10[%add3A_26, %dma_start3A_91] : memref<10016x128xf32, #tpu.memory_space<vmem_shared>> -> memref<128x128xf32, #tpu.memory_space<vmem_shared>>
      %dma_start3A_93 = arith.constant 0 : i32
      %dma_start3A_94 = tpu.memref_slice %arg10[%add3A_26, %dma_start3A_93] : memref<10016x128xf32, #tpu.memory_space<vmem_shared>> -> memref<128x128xf32, #tpu.memory_space<vmem_shared>>
      %dma_start3A_95 = arith.constant 0 : i32
      %dma_start3A_96 = arith.constant 0 : i32
      %dma_start3A_97 = tpu.memref_slice %arg9[%dma_start3A_95, %dma_start3A_96] : memref<128x128xf32, #tpu.memory_space<vmem>> -> memref<128x128xf32, #tpu.memory_space<vmem>>
      tpu.enqueue_dma source(%dma_start3A_97 : memref<128x128xf32, #tpu.memory_space<vmem>>) target(%dma_start3A_94 : memref<128x128xf32, #tpu.memory_space<vmem_shared>>) target_semaphore(%run_scoped3A_87 : memref<!tpu.dma_semaphore, #tpu.memory_space<semaphore_mem>>)
      %dma_wait3A_98 = arith.constant 0 : i32
      %dma_wait3A_99 = arith.constant 0 : i32
      %dma_wait3A_100 = tpu.memref_slice %arg9[%dma_wait3A_98, %dma_wait3A_99] : memref<128x128xf32, #tpu.memory_space<vmem>> -> memref<128x128xf32, #tpu.memory_space<vmem>>
      %dma_wait3A_101 = arith.constant 0 : i32
      %dma_wait3A_102 = tpu.memref_slice %arg10[%add3A_26, %dma_wait3A_101] : memref<10016x128xf32, #tpu.memory_space<vmem_shared>> -> memref<128x128xf32, #tpu.memory_space<vmem_shared>>
      %dma_wait3A_103 = arith.constant 0 : i32
      %dma_wait3A_104 = tpu.memref_slice %arg10[%add3A_26, %dma_wait3A_103] : memref<10016x128xf32, #tpu.memory_space<vmem_shared>> -> memref<128x128xf32, #tpu.memory_space<vmem_shared>>
      %dma_wait3A_105 = arith.constant 0 : i32
      %dma_wait3A_106 = arith.constant 0 : i32
      %dma_wait3A_107 = tpu.memref_slice %arg9[%dma_wait3A_105, %dma_wait3A_106] : memref<128x128xf32, #tpu.memory_space<vmem>> -> memref<128x128xf32, #tpu.memory_space<vmem>>
      tpu.wait_dma2 semaphore(%run_scoped3A_87 : memref<!tpu.dma_semaphore, #tpu.memory_space<semaphore_mem>>) src(%dma_wait3A_107 : memref<128x128xf32, #tpu.memory_space<vmem>>) dst(%dma_wait3A_104 : memref<128x128xf32, #tpu.memory_space<vmem_shared>>)
      tpu.yield
    }) : () -> ()
    %add3A_27 = arith.constant 512 : i32
    %add3A_28 = arith.addi %mul3A_21, %add3A_27 : i32
    "tpu.region"() ({
      %run_scoped3A_87 = tpu.sem_alloc : memref<!tpu.dma_semaphore, #tpu.memory_space<semaphore_mem>>
      %dma_start3A_88 = arith.constant 0 : i32
      %dma_start3A_89 = arith.constant 0 : i32
      %dma_start3A_90 = tpu.memref_slice %arg9[%dma_start3A_88, %dma_start3A_89] : memref<128x128xf32, #tpu.memory_space<vmem>> -> memref<114x128xf32, #tpu.memory_space<vmem>>
      %dma_start3A_91 = arith.constant 0 : i32
      %dma_start3A_92 = tpu.memref_slice %arg10[%add3A_28, %dma_start3A_91] : memref<10016x128xf32, #tpu.memory_space<vmem_shared>> -> memref<114x128xf32, #tpu.memory_space<vmem_shared>>
      %dma_start3A_93 = arith.constant 0 : i32
      %dma_start3A_94 = tpu.memref_slice %arg10[%add3A_28, %dma_start3A_93] : memref<10016x128xf32, #tpu.memory_space<vmem_shared>> -> memref<114x128xf32, #tpu.memory_space<vmem_shared>>
      %dma_start3A_95 = arith.constant 0 : i32
      %dma_start3A_96 = arith.constant 0 : i32
      %dma_start3A_97 = tpu.memref_slice %arg9[%dma_start3A_95, %dma_start3A_96] : memref<128x128xf32, #tpu.memory_space<vmem>> -> memref<114x128xf32, #tpu.memory_space<vmem>>
      tpu.enqueue_dma source(%dma_start3A_97 : memref<114x128xf32, #tpu.memory_space<vmem>>) target(%dma_start3A_94 : memref<114x128xf32, #tpu.memory_space<vmem_shared>>) target_semaphore(%run_scoped3A_87 : memref<!tpu.dma_semaphore, #tpu.memory_space<semaphore_mem>>)
      %dma_wait3A_98 = arith.constant 0 : i32
      %dma_wait3A_99 = arith.constant 0 : i32
      %dma_wait3A_100 = tpu.memref_slice %arg9[%dma_wait3A_98, %dma_wait3A_99] : memref<128x128xf32, #tpu.memory_space<vmem>> -> memref<114x128xf32, #tpu.memory_space<vmem>>
      %dma_wait3A_101 = arith.constant 0 : i32
      %dma_wait3A_102 = tpu.memref_slice %arg10[%add3A_28, %dma_wait3A_101] : memref<10016x128xf32, #tpu.memory_space<vmem_shared>> -> memref<114x128xf32, #tpu.memory_space<vmem_shared>>
      %dma_wait3A_103 = arith.constant 0 : i32
      %dma_wait3A_104 = tpu.memref_slice %arg10[%add3A_28, %dma_wait3A_103] : memref<10016x128xf32, #tpu.memory_space<vmem_shared>> -> memref<114x128xf32, #tpu.memory_space<vmem_shared>>
      %dma_wait3A_105 = arith.constant 0 : i32
      %dma_wait3A_106 = arith.constant 0 : i32
      %dma_wait3A_107 = tpu.memref_slice %arg9[%dma_wait3A_105, %dma_wait3A_106] : memref<128x128xf32, #tpu.memory_space<vmem>> -> memref<114x128xf32, #tpu.memory_space<vmem>>
      tpu.wait_dma2 semaphore(%run_scoped3A_87 : memref<!tpu.dma_semaphore, #tpu.memory_space<semaphore_mem>>) src(%dma_wait3A_107 : memref<114x128xf32, #tpu.memory_space<vmem>>) dst(%dma_wait3A_104 : memref<114x128xf32, #tpu.memory_space<vmem_shared>>)
      tpu.yield
    }) : () -> ()
    %barrier3A = arith.constant 0 : index
    tpu.barrier barrier_id(%barrier3A)
    %dma_wait3A = arith.constant 0 : i32
    %dma_wait3A_29 = arith.constant 0 : i32
    %dma_wait3A_30 = arith.constant 0 : i32
    %dma_wait3A_31 = tpu.memref_slice %arg3[%arg0, %arg1, %dma_wait3A, %dma_wait3A_29, %dma_wait3A_30] : memref<2x16x158x2x128xi32, #tpu.memory_space<hbm>> -> memref<1x1x1x2x128xi32, #tpu.memory_space<hbm>>
    %dma_wait3A_32 = tpu.memref_squeeze %dma_wait3A_31 : memref<1x1x1x2x128xi32, #tpu.memory_space<hbm>> -> memref<2x128xi32, #tpu.memory_space<hbm>>
    %dma_wait3A_33 = arith.constant 0 : i32
    %dma_wait3A_34 = arith.constant 0 : i32
    %dma_wait3A_35 = tpu.memref_slice %arg3[%arg0, %arg1, %dma_wait3A, %dma_wait3A_33, %dma_wait3A_34] : memref<2x16x158x2x128xi32, #tpu.memory_space<hbm>> -> memref<1x1x1x2x128xi32, #tpu.memory_space<hbm>>
    %dma_wait3A_36 = tpu.memref_squeeze %dma_wait3A_35 : memref<1x1x1x2x128xi32, #tpu.memory_space<hbm>> -> memref<2x128xi32, #tpu.memory_space<hbm>>
    tpu.wait_dma2 semaphore(%arg11 : memref<!tpu.dma_semaphore, #tpu.memory_space<semaphore_mem>>) src(%dma_wait3A_36 : memref<2x128xi32, #tpu.memory_space<hbm>>) dst(%arg5 : memref<2x128xi32, #tpu.memory_space<vmem>>)
    %dma_start3A_37 = arith.constant 0 : i32
    %dma_start3A_38 = arith.constant 0 : i32
    %dma_start3A_39 = tpu.memref_slice %arg5[%dma_start3A_37, %dma_start3A_38] : memref<2x128xi32, #tpu.memory_space<vmem>> -> memref<1x128xi32, #tpu.memory_space<vmem>>
    %dma_start3A_40 = tpu.memref_squeeze %dma_start3A_39 : memref<1x128xi32, #tpu.memory_space<vmem>> -> memref<128xi32, #tpu.memory_space<vmem>>
    %dma_start3A_41 = arith.constant 0 : i32
    %dma_start3A_42 = arith.constant 0 : i32
    %dma_start3A_43 = tpu.memref_slice %arg2[%dma_start3A_41, %dma_start3A_42] : memref<10000x128xf32, #tpu.memory_space<hbm>> -> memref<10000x128xf32, #tpu.memory_space<hbm>>
    tpu.enqueue_indirect_dma source(%dma_start3A_43 : memref<10000x128xf32, #tpu.memory_space<hbm>>) target(%arg7 : memref<128x128xf32, #tpu.memory_space<vmem>>) offsets(%dma_start3A_40 : memref<128xi32, #tpu.memory_space<vmem>>) semaphore(%arg13 : memref<!tpu.dma_semaphore, #tpu.memory_space<semaphore_mem>>)
    %scan3A_44 = arith.constant 0 : i32
    %scan3A_45 = arith.constant 78 : i32
    %scan3A_46 = arith.addi %scan3A_44, %scan3A_45 : i32
    %scan3A_47 = arith.constant 1 : i32
    scf.for %scan3A_87 = %scan3A_44 to %scan3A_46 step %scan3A_47  : i32 {
      %mul3A_88 = arith.constant 2 : i32
      %mul3A_89 = arith.muli %scan3A_87, %mul3A_88 : i32
      %add3A_90 = arith.constant 0 : i32
      %add3A_91 = arith.addi %add3A_90, %mul3A_89 : i32
      %add3A_92 = arith.constant 0 : i32
      %add3A_93 = arith.addi %add3A_91, %add3A_92 : i32
      %dma_wait3A_94 = arith.constant 0 : i32
      %dma_wait3A_95 = arith.constant 0 : i32
      %dma_wait3A_96 = arith.constant 0 : i32
      %dma_wait3A_97 = tpu.memref_slice %arg3[%arg0, %arg1, %dma_wait3A_94, %dma_wait3A_95, %dma_wait3A_96] : memref<2x16x158x2x128xi32, #tpu.memory_space<hbm>> -> memref<1x1x1x2x128xi32, #tpu.memory_space<hbm>>
      %dma_wait3A_98 = tpu.memref_squeeze %dma_wait3A_97 : memref<1x1x1x2x128xi32, #tpu.memory_space<hbm>> -> memref<2x128xi32, #tpu.memory_space<hbm>>
      %dma_wait3A_99 = arith.constant 0 : i32
      %dma_wait3A_100 = arith.constant 0 : i32
      %dma_wait3A_101 = tpu.memref_slice %arg3[%arg0, %arg1, %dma_wait3A_94, %dma_wait3A_99, %dma_wait3A_100] : memref<2x16x158x2x128xi32, #tpu.memory_space<hbm>> -> memref<1x1x1x2x128xi32, #tpu.memory_space<hbm>>
      %dma_wait3A_102 = tpu.memref_squeeze %dma_wait3A_101 : memref<1x1x1x2x128xi32, #tpu.memory_space<hbm>> -> memref<2x128xi32, #tpu.memory_space<hbm>>
      tpu.wait_dma2 semaphore(%arg12 : memref<!tpu.dma_semaphore, #tpu.memory_space<semaphore_mem>>) src(%dma_wait3A_102 : memref<2x128xi32, #tpu.memory_space<hbm>>) dst(%arg6 : memref<2x128xi32, #tpu.memory_space<vmem>>)
      %dma_start3A_103 = arith.constant 0 : i32
      %dma_start3A_104 = arith.constant 0 : i32
      %dma_start3A_105 = tpu.memref_slice %arg6[%dma_start3A_103, %dma_start3A_104] : memref<2x128xi32, #tpu.memory_space<vmem>> -> memref<1x128xi32, #tpu.memory_space<vmem>>
      %dma_start3A_106 = tpu.memref_squeeze %dma_start3A_105 : memref<1x128xi32, #tpu.memory_space<vmem>> -> memref<128xi32, #tpu.memory_space<vmem>>
      %dma_start3A_107 = arith.constant 0 : i32
      %dma_start3A_108 = arith.constant 0 : i32
      %dma_start3A_109 = tpu.memref_slice %arg2[%dma_start3A_107, %dma_start3A_108] : memref<10000x128xf32, #tpu.memory_space<hbm>> -> memref<10000x128xf32, #tpu.memory_space<hbm>>
      tpu.enqueue_indirect_dma source(%dma_start3A_109 : memref<10000x128xf32, #tpu.memory_space<hbm>>) target(%arg8 : memref<128x128xf32, #tpu.memory_space<vmem>>) offsets(%dma_start3A_106 : memref<128xi32, #tpu.memory_space<vmem>>) semaphore(%arg14 : memref<!tpu.dma_semaphore, #tpu.memory_space<semaphore_mem>>)
      %dma_wait3A_110 = arith.constant 0 : i32
      %dma_wait3A_111 = arith.constant 0 : i32
      %dma_wait3A_112 = tpu.memref_slice %arg2[%dma_wait3A_110, %dma_wait3A_111] : memref<10000x128xf32, #tpu.memory_space<hbm>> -> memref<128x128xf32, #tpu.memory_space<hbm>>
      %dma_wait3A_113 = arith.constant 0 : i32
      %dma_wait3A_114 = arith.constant 0 : i32
      %dma_wait3A_115 = tpu.memref_slice %arg2[%dma_wait3A_113, %dma_wait3A_114] : memref<10000x128xf32, #tpu.memory_space<hbm>> -> memref<128x128xf32, #tpu.memory_space<hbm>>
      tpu.wait_dma2 semaphore(%arg13 : memref<!tpu.dma_semaphore, #tpu.memory_space<semaphore_mem>>) src(%dma_wait3A_115 : memref<128x128xf32, #tpu.memory_space<hbm>>) dst(%arg7 : memref<128x128xf32, #tpu.memory_space<vmem>>)
      %run_scoped3A_116 = arith.constant 1 : i32
      "tpu.region"() ({
        %run_scoped3A_162 = tpu.sem_alloc : memref<!tpu.dma_semaphore, #tpu.memory_space<semaphore_mem>>
        %dma_start3A_163 = arith.constant 0 : i32
        %dma_start3A_164 = tpu.memref_slice %arg5[%run_scoped3A_116, %dma_start3A_163] : memref<2x128xi32, #tpu.memory_space<vmem>> -> memref<1x128xi32, #tpu.memory_space<vmem>>
        %dma_start3A_165 = tpu.memref_squeeze %dma_start3A_164 : memref<1x128xi32, #tpu.memory_space<vmem>> -> memref<128xi32, #tpu.memory_space<vmem>>
        %dma_start3A_166 = arith.constant 0 : i32
        %dma_start3A_167 = arith.constant 0 : i32
        %dma_start3A_168 = tpu.memref_slice %arg10[%dma_start3A_166, %dma_start3A_167] : memref<10016x128xf32, #tpu.memory_space<vmem_shared>> -> memref<10016x128xf32, #tpu.memory_space<vmem_shared>>
        tpu.enqueue_indirect_dma source(%arg7 : memref<128x128xf32, #tpu.memory_space<vmem>>) target(%dma_start3A_168 : memref<10016x128xf32, #tpu.memory_space<vmem_shared>>) offsets(%dma_start3A_165 : memref<128xi32, #tpu.memory_space<vmem>>) semaphore(%run_scoped3A_162 : memref<!tpu.dma_semaphore, #tpu.memory_space<semaphore_mem>>) {add = true}
        %dma_wait3A_169 = arith.constant 0 : i32
        %dma_wait3A_170 = tpu.memref_slice %arg5[%run_scoped3A_116, %dma_wait3A_169] : memref<2x128xi32, #tpu.memory_space<vmem>> -> memref<1x128xi32, #tpu.memory_space<vmem>>
        %dma_wait3A_171 = tpu.memref_squeeze %dma_wait3A_170 : memref<1x128xi32, #tpu.memory_space<vmem>> -> memref<128xi32, #tpu.memory_space<vmem>>
        %dma_wait3A_172 = arith.constant 0 : i32
        %dma_wait3A_173 = arith.constant 0 : i32
        %dma_wait3A_174 = tpu.memref_slice %arg10[%dma_wait3A_172, %dma_wait3A_173] : memref<10016x128xf32, #tpu.memory_space<vmem_shared>> -> memref<10016x128xf32, #tpu.memory_space<vmem_shared>>
        tpu.wait_indirect_dma semaphore(%run_scoped3A_162 : memref<!tpu.dma_semaphore, #tpu.memory_space<semaphore_mem>>) src(%arg7 : memref<128x128xf32, #tpu.memory_space<vmem>>) dst(%dma_wait3A_174 : memref<10016x128xf32, #tpu.memory_space<vmem_shared>>)
        tpu.yield
      }) : () -> ()
      %add3A_117 = arith.constant 2 : i32
      %add3A_118 = arith.addi %add3A_93, %add3A_117 : i32
      %dma_start3A_119 = arith.constant 0 : i32
      %dma_start3A_120 = arith.constant 0 : i32
      %dma_start3A_121 = tpu.memref_slice %arg3[%arg0, %arg1, %add3A_118, %dma_start3A_119, %dma_start3A_120] : memref<2x16x158x2x128xi32, #tpu.memory_space<hbm>> -> memref<1x1x1x2x128xi32, #tpu.memory_space<hbm>>
      %dma_start3A_122 = tpu.memref_squeeze %dma_start3A_121 : memref<1x1x1x2x128xi32, #tpu.memory_space<hbm>> -> memref<2x128xi32, #tpu.memory_space<hbm>>
      %dma_start3A_123 = arith.constant 0 : i32
      %dma_start3A_124 = arith.constant 0 : i32
      %dma_start3A_125 = tpu.memref_slice %arg3[%arg0, %arg1, %add3A_118, %dma_start3A_123, %dma_start3A_124] : memref<2x16x158x2x128xi32, #tpu.memory_space<hbm>> -> memref<1x1x1x2x128xi32, #tpu.memory_space<hbm>>
      %dma_start3A_126 = tpu.memref_squeeze %dma_start3A_125 : memref<1x1x1x2x128xi32, #tpu.memory_space<hbm>> -> memref<2x128xi32, #tpu.memory_space<hbm>>
      tpu.enqueue_dma source(%dma_start3A_126 : memref<2x128xi32, #tpu.memory_space<hbm>>) target(%arg5 : memref<2x128xi32, #tpu.memory_space<vmem>>) target_semaphore(%arg11 : memref<!tpu.dma_semaphore, #tpu.memory_space<semaphore_mem>>)
      %add3A_127 = arith.constant 1 : i32
      %add3A_128 = arith.addi %add3A_91, %add3A_127 : i32
      %dma_wait3A_129 = arith.constant 0 : i32
      %dma_wait3A_130 = arith.constant 0 : i32
      %dma_wait3A_131 = arith.constant 0 : i32
      %dma_wait3A_132 = tpu.memref_slice %arg3[%arg0, %arg1, %dma_wait3A_129, %dma_wait3A_130, %dma_wait3A_131] : memref<2x16x158x2x128xi32, #tpu.memory_space<hbm>> -> memref<1x1x1x2x128xi32, #tpu.memory_space<hbm>>
      %dma_wait3A_133 = tpu.memref_squeeze %dma_wait3A_132 : memref<1x1x1x2x128xi32, #tpu.memory_space<hbm>> -> memref<2x128xi32, #tpu.memory_space<hbm>>
      %dma_wait3A_134 = arith.constant 0 : i32
      %dma_wait3A_135 = arith.constant 0 : i32
      %dma_wait3A_136 = tpu.memref_slice %arg3[%arg0, %arg1, %dma_wait3A_129, %dma_wait3A_134, %dma_wait3A_135] : memref<2x16x158x2x128xi32, #tpu.memory_space<hbm>> -> memref<1x1x1x2x128xi32, #tpu.memory_space<hbm>>
      %dma_wait3A_137 = tpu.memref_squeeze %dma_wait3A_136 : memref<1x1x1x2x128xi32, #tpu.memory_space<hbm>> -> memref<2x128xi32, #tpu.memory_space<hbm>>
      tpu.wait_dma2 semaphore(%arg11 : memref<!tpu.dma_semaphore, #tpu.memory_space<semaphore_mem>>) src(%dma_wait3A_137 : memref<2x128xi32, #tpu.memory_space<hbm>>) dst(%arg5 : memref<2x128xi32, #tpu.memory_space<vmem>>)
      %dma_start3A_138 = arith.constant 0 : i32
      %dma_start3A_139 = arith.constant 0 : i32
      %dma_start3A_140 = tpu.memref_slice %arg5[%dma_start3A_138, %dma_start3A_139] : memref<2x128xi32, #tpu.memory_space<vmem>> -> memref<1x128xi32, #tpu.memory_space<vmem>>
      %dma_start3A_141 = tpu.memref_squeeze %dma_start3A_140 : memref<1x128xi32, #tpu.memory_space<vmem>> -> memref<128xi32, #tpu.memory_space<vmem>>
      %dma_start3A_142 = arith.constant 0 : i32
      %dma_start3A_143 = arith.constant 0 : i32
      %dma_start3A_144 = tpu.memref_slice %arg2[%dma_start3A_142, %dma_start3A_143] : memref<10000x128xf32, #tpu.memory_space<hbm>> -> memref<10000x128xf32, #tpu.memory_space<hbm>>
      tpu.enqueue_indirect_dma source(%dma_start3A_144 : memref<10000x128xf32, #tpu.memory_space<hbm>>) target(%arg7 : memref<128x128xf32, #tpu.memory_space<vmem>>) offsets(%dma_start3A_141 : memref<128xi32, #tpu.memory_space<vmem>>) semaphore(%arg13 : memref<!tpu.dma_semaphore, #tpu.memory_space<semaphore_mem>>)
      %dma_wait3A_145 = arith.constant 0 : i32
      %dma_wait3A_146 = arith.constant 0 : i32
      %dma_wait3A_147 = tpu.memref_slice %arg2[%dma_wait3A_145, %dma_wait3A_146] : memref<10000x128xf32, #tpu.memory_space<hbm>> -> memref<128x128xf32, #tpu.memory_space<hbm>>
      %dma_wait3A_148 = arith.constant 0 : i32
      %dma_wait3A_149 = arith.constant 0 : i32
      %dma_wait3A_150 = tpu.memref_slice %arg2[%dma_wait3A_148, %dma_wait3A_149] : memref<10000x128xf32, #tpu.memory_space<hbm>> -> memref<128x128xf32, #tpu.memory_space<hbm>>
      tpu.wait_dma2 semaphore(%arg14 : memref<!tpu.dma_semaphore, #tpu.memory_space<semaphore_mem>>) src(%dma_wait3A_150 : memref<128x128xf32, #tpu.memory_space<hbm>>) dst(%arg8 : memref<128x128xf32, #tpu.memory_space<vmem>>)
      %run_scoped3A_151 = arith.constant 1 : i32
      "tpu.region"() ({
        %run_scoped3A_162 = tpu.sem_alloc : memref<!tpu.dma_semaphore, #tpu.memory_space<semaphore_mem>>
        %dma_start3A_163 = arith.constant 0 : i32
        %dma_start3A_164 = tpu.memref_slice %arg6[%run_scoped3A_151, %dma_start3A_163] : memref<2x128xi32, #tpu.memory_space<vmem>> -> memref<1x128xi32, #tpu.memory_space<vmem>>
        %dma_start3A_165 = tpu.memref_squeeze %dma_start3A_164 : memref<1x128xi32, #tpu.memory_space<vmem>> -> memref<128xi32, #tpu.memory_space<vmem>>
        %dma_start3A_166 = arith.constant 0 : i32
        %dma_start3A_167 = arith.constant 0 : i32
        %dma_start3A_168 = tpu.memref_slice %arg10[%dma_start3A_166, %dma_start3A_167] : memref<10016x128xf32, #tpu.memory_space<vmem_shared>> -> memref<10016x128xf32, #tpu.memory_space<vmem_shared>>
        tpu.enqueue_indirect_dma source(%arg8 : memref<128x128xf32, #tpu.memory_space<vmem>>) target(%dma_start3A_168 : memref<10016x128xf32, #tpu.memory_space<vmem_shared>>) offsets(%dma_start3A_165 : memref<128xi32, #tpu.memory_space<vmem>>) semaphore(%run_scoped3A_162 : memref<!tpu.dma_semaphore, #tpu.memory_space<semaphore_mem>>) {add = true}
        %dma_wait3A_169 = arith.constant 0 : i32
        %dma_wait3A_170 = tpu.memref_slice %arg6[%run_scoped3A_151, %dma_wait3A_169] : memref<2x128xi32, #tpu.memory_space<vmem>> -> memref<1x128xi32, #tpu.memory_space<vmem>>
        %dma_wait3A_171 = tpu.memref_squeeze %dma_wait3A_170 : memref<1x128xi32, #tpu.memory_space<vmem>> -> memref<128xi32, #tpu.memory_space<vmem>>
        %dma_wait3A_172 = arith.constant 0 : i32
        %dma_wait3A_173 = arith.constant 0 : i32
        %dma_wait3A_174 = tpu.memref_slice %arg10[%dma_wait3A_172, %dma_wait3A_173] : memref<10016x128xf32, #tpu.memory_space<vmem_shared>> -> memref<10016x128xf32, #tpu.memory_space<vmem_shared>>
        tpu.wait_indirect_dma semaphore(%run_scoped3A_162 : memref<!tpu.dma_semaphore, #tpu.memory_space<semaphore_mem>>) src(%arg8 : memref<128x128xf32, #tpu.memory_space<vmem>>) dst(%dma_wait3A_174 : memref<10016x128xf32, #tpu.memory_space<vmem_shared>>)
        tpu.yield
      }) : () -> ()
      %add3A_152 = arith.constant 2 : i32
      %add3A_153 = arith.addi %add3A_128, %add3A_152 : i32
      %dma_start3A_154 = arith.constant 0 : i32
      %dma_start3A_155 = arith.constant 0 : i32
      %dma_start3A_156 = tpu.memref_slice %arg3[%arg0, %arg1, %add3A_153, %dma_start3A_154, %dma_start3A_155] : memref<2x16x158x2x128xi32, #tpu.memory_space<hbm>> -> memref<1x1x1x2x128xi32, #tpu.memory_space<hbm>>
      %dma_start3A_157 = tpu.memref_squeeze %dma_start3A_156 : memref<1x1x1x2x128xi32, #tpu.memory_space<hbm>> -> memref<2x128xi32, #tpu.memory_space<hbm>>
      %dma_start3A_158 = arith.constant 0 : i32
      %dma_start3A_159 = arith.constant 0 : i32
      %dma_start3A_160 = tpu.memref_slice %arg3[%arg0, %arg1, %add3A_153, %dma_start3A_158, %dma_start3A_159] : memref<2x16x158x2x128xi32, #tpu.memory_space<hbm>> -> memref<1x1x1x2x128xi32, #tpu.memory_space<hbm>>
      %dma_start3A_161 = tpu.memref_squeeze %dma_start3A_160 : memref<1x1x1x2x128xi32, #tpu.memory_space<hbm>> -> memref<2x128xi32, #tpu.memory_space<hbm>>
      tpu.enqueue_dma source(%dma_start3A_161 : memref<2x128xi32, #tpu.memory_space<hbm>>) target(%arg6 : memref<2x128xi32, #tpu.memory_space<vmem>>) target_semaphore(%arg12 : memref<!tpu.dma_semaphore, #tpu.memory_space<semaphore_mem>>)
    }
    %scan3A_48 = arith.constant 78 : i32
    %dma_wait3A_49 = arith.constant 0 : i32
    %dma_wait3A_50 = arith.constant 0 : i32
    %dma_wait3A_51 = arith.constant 0 : i32
    %dma_wait3A_52 = tpu.memref_slice %arg3[%arg0, %arg1, %dma_wait3A_49, %dma_wait3A_50, %dma_wait3A_51] : memref<2x16x158x2x128xi32, #tpu.memory_space<hbm>> -> memref<1x1x1x2x128xi32, #tpu.memory_space<hbm>>
    %dma_wait3A_53 = tpu.memref_squeeze %dma_wait3A_52 : memref<1x1x1x2x128xi32, #tpu.memory_space<hbm>> -> memref<2x128xi32, #tpu.memory_space<hbm>>
    %dma_wait3A_54 = arith.constant 0 : i32
    %dma_wait3A_55 = arith.constant 0 : i32
    %dma_wait3A_56 = tpu.memref_slice %arg3[%arg0, %arg1, %dma_wait3A_49, %dma_wait3A_54, %dma_wait3A_55] : memref<2x16x158x2x128xi32, #tpu.memory_space<hbm>> -> memref<1x1x1x2x128xi32, #tpu.memory_space<hbm>>
    %dma_wait3A_57 = tpu.memref_squeeze %dma_wait3A_56 : memref<1x1x1x2x128xi32, #tpu.memory_space<hbm>> -> memref<2x128xi32, #tpu.memory_space<hbm>>
    tpu.wait_dma2 semaphore(%arg12 : memref<!tpu.dma_semaphore, #tpu.memory_space<semaphore_mem>>) src(%dma_wait3A_57 : memref<2x128xi32, #tpu.memory_space<hbm>>) dst(%arg6 : memref<2x128xi32, #tpu.memory_space<vmem>>)
    %dma_start3A_58 = arith.constant 0 : i32
    %dma_start3A_59 = arith.constant 0 : i32
    %dma_start3A_60 = tpu.memref_slice %arg6[%dma_start3A_58, %dma_start3A_59] : memref<2x128xi32, #tpu.memory_space<vmem>> -> memref<1x128xi32, #tpu.memory_space<vmem>>
    %dma_start3A_61 = tpu.memref_squeeze %dma_start3A_60 : memref<1x128xi32, #tpu.memory_space<vmem>> -> memref<128xi32, #tpu.memory_space<vmem>>
    %dma_start3A_62 = arith.constant 0 : i32
    %dma_start3A_63 = arith.constant 0 : i32
    %dma_start3A_64 = tpu.memref_slice %arg2[%dma_start3A_62, %dma_start3A_63] : memref<10000x128xf32, #tpu.memory_space<hbm>> -> memref<10000x128xf32, #tpu.memory_space<hbm>>
    tpu.enqueue_indirect_dma source(%dma_start3A_64 : memref<10000x128xf32, #tpu.memory_space<hbm>>) target(%arg8 : memref<128x128xf32, #tpu.memory_space<vmem>>) offsets(%dma_start3A_61 : memref<128xi32, #tpu.memory_space<vmem>>) semaphore(%arg14 : memref<!tpu.dma_semaphore, #tpu.memory_space<semaphore_mem>>)
    %dma_wait3A_65 = arith.constant 0 : i32
    %dma_wait3A_66 = arith.constant 0 : i32
    %dma_wait3A_67 = tpu.memref_slice %arg2[%dma_wait3A_65, %dma_wait3A_66] : memref<10000x128xf32, #tpu.memory_space<hbm>> -> memref<128x128xf32, #tpu.memory_space<hbm>>
    %dma_wait3A_68 = arith.constant 0 : i32
    %dma_wait3A_69 = arith.constant 0 : i32
    %dma_wait3A_70 = tpu.memref_slice %arg2[%dma_wait3A_68, %dma_wait3A_69] : memref<10000x128xf32, #tpu.memory_space<hbm>> -> memref<128x128xf32, #tpu.memory_space<hbm>>
    tpu.wait_dma2 semaphore(%arg13 : memref<!tpu.dma_semaphore, #tpu.memory_space<semaphore_mem>>) src(%dma_wait3A_70 : memref<128x128xf32, #tpu.memory_space<hbm>>) dst(%arg7 : memref<128x128xf32, #tpu.memory_space<vmem>>)
    %run_scoped3A = arith.constant 1 : i32
    "tpu.region"() ({
      %run_scoped3A_87 = tpu.sem_alloc : memref<!tpu.dma_semaphore, #tpu.memory_space<semaphore_mem>>
      %dma_start3A_88 = arith.constant 0 : i32
      %dma_start3A_89 = tpu.memref_slice %arg5[%run_scoped3A, %dma_start3A_88] : memref<2x128xi32, #tpu.memory_space<vmem>> -> memref<1x128xi32, #tpu.memory_space<vmem>>
      %dma_start3A_90 = tpu.memref_squeeze %dma_start3A_89 : memref<1x128xi32, #tpu.memory_space<vmem>> -> memref<128xi32, #tpu.memory_space<vmem>>
      %dma_start3A_91 = arith.constant 0 : i32
      %dma_start3A_92 = arith.constant 0 : i32
      %dma_start3A_93 = tpu.memref_slice %arg10[%dma_start3A_91, %dma_start3A_92] : memref<10016x128xf32, #tpu.memory_space<vmem_shared>> -> memref<10016x128xf32, #tpu.memory_space<vmem_shared>>
      tpu.enqueue_indirect_dma source(%arg7 : memref<128x128xf32, #tpu.memory_space<vmem>>) target(%dma_start3A_93 : memref<10016x128xf32, #tpu.memory_space<vmem_shared>>) offsets(%dma_start3A_90 : memref<128xi32, #tpu.memory_space<vmem>>) semaphore(%run_scoped3A_87 : memref<!tpu.dma_semaphore, #tpu.memory_space<semaphore_mem>>) {add = true}
      %dma_wait3A_94 = arith.constant 0 : i32
      %dma_wait3A_95 = tpu.memref_slice %arg5[%run_scoped3A, %dma_wait3A_94] : memref<2x128xi32, #tpu.memory_space<vmem>> -> memref<1x128xi32, #tpu.memory_space<vmem>>
      %dma_wait3A_96 = tpu.memref_squeeze %dma_wait3A_95 : memref<1x128xi32, #tpu.memory_space<vmem>> -> memref<128xi32, #tpu.memory_space<vmem>>
      %dma_wait3A_97 = arith.constant 0 : i32
      %dma_wait3A_98 = arith.constant 0 : i32
      %dma_wait3A_99 = tpu.memref_slice %arg10[%dma_wait3A_97, %dma_wait3A_98] : memref<10016x128xf32, #tpu.memory_space<vmem_shared>> -> memref<10016x128xf32, #tpu.memory_space<vmem_shared>>
      tpu.wait_indirect_dma semaphore(%run_scoped3A_87 : memref<!tpu.dma_semaphore, #tpu.memory_space<semaphore_mem>>) src(%arg7 : memref<128x128xf32, #tpu.memory_space<vmem>>) dst(%dma_wait3A_99 : memref<10016x128xf32, #tpu.memory_space<vmem_shared>>)
      tpu.yield
    }) : () -> ()
    %dma_wait3A_71 = arith.constant 0 : i32
    %dma_wait3A_72 = arith.constant 0 : i32
    %dma_wait3A_73 = tpu.memref_slice %arg2[%dma_wait3A_71, %dma_wait3A_72] : memref<10000x128xf32, #tpu.memory_space<hbm>> -> memref<128x128xf32, #tpu.memory_space<hbm>>
    %dma_wait3A_74 = arith.constant 0 : i32
    %dma_wait3A_75 = arith.constant 0 : i32
    %dma_wait3A_76 = tpu.memref_slice %arg2[%dma_wait3A_74, %dma_wait3A_75] : memref<10000x128xf32, #tpu.memory_space<hbm>> -> memref<128x128xf32, #tpu.memory_space<hbm>>
    tpu.wait_dma2 semaphore(%arg14 : memref<!tpu.dma_semaphore, #tpu.memory_space<semaphore_mem>>) src(%dma_wait3A_76 : memref<128x128xf32, #tpu.memory_space<hbm>>) dst(%arg8 : memref<128x128xf32, #tpu.memory_space<vmem>>)
    %run_scoped3A_77 = arith.constant 1 : i32
    "tpu.region"() ({
      %run_scoped3A_87 = tpu.sem_alloc : memref<!tpu.dma_semaphore, #tpu.memory_space<semaphore_mem>>
      %dma_start3A_88 = arith.constant 0 : i32
      %dma_start3A_89 = tpu.memref_slice %arg6[%run_scoped3A_77, %dma_start3A_88] : memref<2x128xi32, #tpu.memory_space<vmem>> -> memref<1x128xi32, #tpu.memory_space<vmem>>
      %dma_start3A_90 = tpu.memref_squeeze %dma_start3A_89 : memref<1x128xi32, #tpu.memory_space<vmem>> -> memref<128xi32, #tpu.memory_space<vmem>>
      %dma_start3A_91 = arith.constant 0 : i32
      %dma_start3A_92 = arith.constant 0 : i32
      %dma_start3A_93 = tpu.memref_slice %arg10[%dma_start3A_91, %dma_start3A_92] : memref<10016x128xf32, #tpu.memory_space<vmem_shared>> -> memref<10016x128xf32, #tpu.memory_space<vmem_shared>>
      tpu.enqueue_indirect_dma source(%arg8 : memref<128x128xf32, #tpu.memory_space<vmem>>) target(%dma_start3A_93 : memref<10016x128xf32, #tpu.memory_space<vmem_shared>>) offsets(%dma_start3A_90 : memref<128xi32, #tpu.memory_space<vmem>>) semaphore(%run_scoped3A_87 : memref<!tpu.dma_semaphore, #tpu.memory_space<semaphore_mem>>) {add = true}
      %dma_wait3A_94 = arith.constant 0 : i32
      %dma_wait3A_95 = tpu.memref_slice %arg6[%run_scoped3A_77, %dma_wait3A_94] : memref<2x128xi32, #tpu.memory_space<vmem>> -> memref<1x128xi32, #tpu.memory_space<vmem>>
      %dma_wait3A_96 = tpu.memref_squeeze %dma_wait3A_95 : memref<1x128xi32, #tpu.memory_space<vmem>> -> memref<128xi32, #tpu.memory_space<vmem>>
      %dma_wait3A_97 = arith.constant 0 : i32
      %dma_wait3A_98 = arith.constant 0 : i32
      %dma_wait3A_99 = tpu.memref_slice %arg10[%dma_wait3A_97, %dma_wait3A_98] : memref<10016x128xf32, #tpu.memory_space<vmem_shared>> -> memref<10016x128xf32, #tpu.memory_space<vmem_shared>>
      tpu.wait_indirect_dma semaphore(%run_scoped3A_87 : memref<!tpu.dma_semaphore, #tpu.memory_space<semaphore_mem>>) src(%arg8 : memref<128x128xf32, #tpu.memory_space<vmem>>) dst(%dma_wait3A_99 : memref<10016x128xf32, #tpu.memory_space<vmem_shared>>)
      tpu.yield
    }) : () -> ()
    %barrier3A_78 = arith.constant 0 : index
    tpu.barrier barrier_id(%barrier3A_78)
    %mul3A_79 = arith.constant 624 : i32
    %mul3A_80 = arith.muli %arg1, %mul3A_79 : i32
    %lt3A = arith.constant 15 : i32
    %lt3A_81 = arith.cmpi slt, %arg1, %lt3A : i32
    %convert_element_type3A = arith.extui %lt3A_81 : i1 to i32
    %cond3A = arith.constant 0 : i32
    %cond3A_82 = arith.cmpi ne, %convert_element_type3A, %cond3A : i32
    scf.if %cond3A_82 {
      "tpu.region"() ({
        %run_scoped3A_87 = tpu.sem_alloc : memref<!tpu.dma_semaphore, #tpu.memory_space<semaphore_mem>>
        %dma_start3A_88 = arith.constant 0 : i32
        %dma_start3A_89 = tpu.memref_slice %arg4[%arg0, %mul3A_80, %dma_start3A_88] : memref<2x10000x128xf32, #tpu.memory_space<hbm>> -> memref<1x624x128xf32, #tpu.memory_space<hbm>>
        %dma_start3A_90 = tpu.memref_squeeze %dma_start3A_89 : memref<1x624x128xf32, #tpu.memory_space<hbm>> -> memref<624x128xf32, #tpu.memory_space<hbm>>
        %dma_start3A_91 = arith.constant 0 : i32
        %dma_start3A_92 = tpu.memref_slice %arg10[%mul3A_80, %dma_start3A_91] : memref<10016x128xf32, #tpu.memory_space<vmem_shared>> -> memref<624x128xf32, #tpu.memory_space<vmem_shared>>
        tpu.enqueue_dma source(%dma_start3A_92 : memref<624x128xf32, #tpu.memory_space<vmem_shared>>) target(%dma_start3A_90 : memref<624x128xf32, #tpu.memory_space<hbm>>) target_semaphore(%run_scoped3A_87 : memref<!tpu.dma_semaphore, #tpu.memory_space<semaphore_mem>>)
        %dma_wait3A_93 = arith.constant 0 : i32
        %dma_wait3A_94 = tpu.memref_slice %arg4[%arg0, %mul3A_80, %dma_wait3A_93] : memref<2x10000x128xf32, #tpu.memory_space<hbm>> -> memref<1x624x128xf32, #tpu.memory_space<hbm>>
        %dma_wait3A_95 = tpu.memref_squeeze %dma_wait3A_94 : memref<1x624x128xf32, #tpu.memory_space<hbm>> -> memref<624x128xf32, #tpu.memory_space<hbm>>
        %dma_wait3A_96 = arith.constant 0 : i32
        %dma_wait3A_97 = tpu.memref_slice %arg10[%mul3A_80, %dma_wait3A_96] : memref<10016x128xf32, #tpu.memory_space<vmem_shared>> -> memref<624x128xf32, #tpu.memory_space<vmem_shared>>
        tpu.wait_dma2 semaphore(%run_scoped3A_87 : memref<!tpu.dma_semaphore, #tpu.memory_space<semaphore_mem>>) src(%dma_wait3A_97 : memref<624x128xf32, #tpu.memory_space<vmem_shared>>) dst(%dma_wait3A_95 : memref<624x128xf32, #tpu.memory_space<hbm>>)
        tpu.yield
      }) : () -> ()
    } else {
    }
    %eq3A = arith.constant 15 : i32
    %eq3A_83 = arith.cmpi eq, %arg1, %eq3A : i32
    %convert_element_type3A_84 = arith.extui %eq3A_83 : i1 to i32
    %cond3A_85 = arith.constant 0 : i32
    %cond3A_86 = arith.cmpi ne, %convert_element_type3A_84, %cond3A_85 : i32
    scf.if %cond3A_86 {
      "tpu.region"() ({
        %run_scoped3A_87 = tpu.sem_alloc : memref<!tpu.dma_semaphore, #tpu.memory_space<semaphore_mem>>
        %dma_start3A_88 = arith.constant 9360 : i32
        %dma_start3A_89 = arith.constant 0 : i32
        %dma_start3A_90 = tpu.memref_slice %arg4[%arg0, %dma_start3A_88, %dma_start3A_89] : memref<2x10000x128xf32, #tpu.memory_space<hbm>> -> memref<1x640x128xf32, #tpu.memory_space<hbm>>
        %dma_start3A_91 = tpu.memref_squeeze %dma_start3A_90 : memref<1x640x128xf32, #tpu.memory_space<hbm>> -> memref<640x128xf32, #tpu.memory_space<hbm>>
        %dma_start3A_92 = arith.constant 9360 : i32
        %dma_start3A_93 = arith.constant 0 : i32
        %dma_start3A_94 = tpu.memref_slice %arg10[%dma_start3A_92, %dma_start3A_93] : memref<10016x128xf32, #tpu.memory_space<vmem_shared>> -> memref<640x128xf32, #tpu.memory_space<vmem_shared>>
        tpu.enqueue_dma source(%dma_start3A_94 : memref<640x128xf32, #tpu.memory_space<vmem_shared>>) target(%dma_start3A_91 : memref<640x128xf32, #tpu.memory_space<hbm>>) target_semaphore(%run_scoped3A_87 : memref<!tpu.dma_semaphore, #tpu.memory_space<semaphore_mem>>)
        %dma_wait3A_95 = arith.constant 9360 : i32
        %dma_wait3A_96 = arith.constant 0 : i32
        %dma_wait3A_97 = tpu.memref_slice %arg4[%arg0, %dma_wait3A_95, %dma_wait3A_96] : memref<2x10000x128xf32, #tpu.memory_space<hbm>> -> memref<1x640x128xf32, #tpu.memory_space<hbm>>
        %dma_wait3A_98 = tpu.memref_squeeze %dma_wait3A_97 : memref<1x640x128xf32, #tpu.memory_space<hbm>> -> memref<640x128xf32, #tpu.memory_space<hbm>>
        %dma_wait3A_99 = arith.constant 9360 : i32
        %dma_wait3A_100 = arith.constant 0 : i32
        %dma_wait3A_101 = tpu.memref_slice %arg10[%dma_wait3A_99, %dma_wait3A_100] : memref<10016x128xf32, #tpu.memory_space<vmem_shared>> -> memref<640x128xf32, #tpu.memory_space<vmem_shared>>
        tpu.wait_dma2 semaphore(%run_scoped3A_87 : memref<!tpu.dma_semaphore, #tpu.memory_space<semaphore_mem>>) src(%dma_wait3A_101 : memref<640x128xf32, #tpu.memory_space<vmem_shared>>) dst(%dma_wait3A_98 : memref<640x128xf32, #tpu.memory_space<hbm>>)
        tpu.yield
      }) : () -> ()
    } else {
    }
    return
  }
}

#map = affine_map<(d0, d1) -> (0, 0)>
#map1 = affine_map<(d0, d1) -> (0, 0, 0, 0, 0)>
#map2 = affine_map<(d0, d1) -> (0, 0, 0)>
module attributes {stable_mosaic.version = 14 : i64} {
  func.func @k(%arg0: i32, %arg1: i32, %arg2: memref<10000x128xf32, #tpu.memory_space<hbm>>, %arg3: memref<2x16x158x2x128xi32, #tpu.memory_space<hbm>>, %arg4: memref<2x10000x128xf32, #tpu.memory_space<hbm>>, %arg5: memref<2x128xi32, #tpu.memory_space<vmem>>, %arg6: memref<2x128xi32, #tpu.memory_space<vmem>>, %arg7: memref<128x128xf32, #tpu.memory_space<vmem>>, %arg8: memref<128x128xf32, #tpu.memory_space<vmem>>, %arg9: memref<128x128xf32, #tpu.memory_space<vmem>>, %arg10: memref<10016x128xf32, #tpu.memory_space<vmem_shared>>, %arg11: memref<!tpu.dma_semaphore, #tpu.memory_space<semaphore_mem>>, %arg12: memref<!tpu.dma_semaphore, #tpu.memory_space<semaphore_mem>>, %arg13: memref<!tpu.dma_semaphore, #tpu.memory_space<semaphore_mem>>, %arg14: memref<!tpu.dma_semaphore, #tpu.memory_space<semaphore_mem>>) attributes {dimension_semantics = [#tpu.dimension_semantics<core_parallel>, #tpu.dimension_semantics<subcore_parallel>], iteration_bounds = array<i64: 2, 16>, scalar_prefetch = 0 : i64, scratch_operands = 10 : i64, tpu.core_type = #tpu.core_type<sc_vector_subcore>, window_params = [{transform_indices = #map}, {transform_indices = #map1}, {transform_indices = #map2}]} {
    %dma_start3A = arith.constant 0 : i32
    %dma_start3A_0 = arith.constant 0 : i32
    %dma_start3A_1 = arith.constant 0 : i32
    %dma_start3A_2 = tpu.memref_slice %arg3[%arg0, %arg1, %dma_start3A, %dma_start3A_0, %dma_start3A_1] : memref<2x16x158x2x128xi32, #tpu.memory_space<hbm>> -> memref<1x1x1x2x128xi32, #tpu.memory_space<hbm>>
    %dma_start3A_3 = tpu.memref_squeeze %dma_start3A_2 : memref<1x1x1x2x128xi32, #tpu.memory_space<hbm>> -> memref<2x128xi32, #tpu.memory_space<hbm>>
    %dma_start3A_4 = arith.constant 0 : i32
    %dma_start3A_5 = arith.constant 0 : i32
    %dma_start3A_6 = tpu.memref_slice %arg3[%arg0, %arg1, %dma_start3A, %dma_start3A_4, %dma_start3A_5] : memref<2x16x158x2x128xi32, #tpu.memory_space<hbm>> -> memref<1x1x1x2x128xi32, #tpu.memory_space<hbm>>
    %dma_start3A_7 = tpu.memref_squeeze %dma_start3A_6 : memref<1x1x1x2x128xi32, #tpu.memory_space<hbm>> -> memref<2x128xi32, #tpu.memory_space<hbm>>
    tpu.enqueue_dma source(%dma_start3A_7 : memref<2x128xi32, #tpu.memory_space<hbm>>) target(%arg5 : memref<2x128xi32, #tpu.memory_space<vmem>>) target_semaphore(%arg11 : memref<!tpu.dma_semaphore, #tpu.memory_space<semaphore_mem>>)
    %dma_start3A_8 = arith.constant 1 : i32
    %dma_start3A_9 = arith.constant 0 : i32
    %dma_start3A_10 = arith.constant 0 : i32
    %dma_start3A_11 = tpu.memref_slice %arg3[%arg0, %arg1, %dma_start3A_8, %dma_start3A_9, %dma_start3A_10] : memref<2x16x158x2x128xi32, #tpu.memory_space<hbm>> -> memref<1x1x1x2x128xi32, #tpu.memory_space<hbm>>
    %dma_start3A_12 = tpu.memref_squeeze %dma_start3A_11 : memref<1x1x1x2x128xi32, #tpu.memory_space<hbm>> -> memref<2x128xi32, #tpu.memory_space<hbm>>
    %dma_start3A_13 = arith.constant 0 : i32
    %dma_start3A_14 = arith.constant 0 : i32
    %dma_start3A_15 = tpu.memref_slice %arg3[%arg0, %arg1, %dma_start3A_8, %dma_start3A_13, %dma_start3A_14] : memref<2x16x158x2x128xi32, #tpu.memory_space<hbm>> -> memref<1x1x1x2x128xi32, #tpu.memory_space<hbm>>
    %dma_start3A_16 = tpu.memref_squeeze %dma_start3A_15 : memref<1x1x1x2x128xi32, #tpu.memory_space<hbm>> -> memref<2x128xi32, #tpu.memory_space<hbm>>
    tpu.enqueue_dma source(%dma_start3A_16 : memref<2x128xi32, #tpu.memory_space<hbm>>) target(%arg6 : memref<2x128xi32, #tpu.memory_space<vmem>>) target_semaphore(%arg12 : memref<!tpu.dma_semaphore, #tpu.memory_space<semaphore_mem>>)
    %scan3A = arith.constant 0 : i32
    %scan3A_17 = arith.constant 128 : i32
    %scan3A_18 = arith.addi %scan3A, %scan3A_17 : i32
    %scan3A_19 = arith.constant 1 : i32
    scf.for %scan3A_87 = %scan3A to %scan3A_18 step %scan3A_19  : i32 {
      %mul3A_88 = arith.constant 1 : i32
      %mul3A_89 = arith.muli %scan3A_87, %mul3A_88 : i32
      %add3A_90 = arith.constant 0 : i32
      %add3A_91 = arith.addi %add3A_90, %mul3A_89 : i32
      %scan3A_92 = arith.constant 0 : i32
      %scan3A_93 = arith.constant 8 : i32
      %scan3A_94 = arith.addi %scan3A_92, %scan3A_93 : i32
      %scan3A_95 = arith.constant 1 : i32
      scf.for %scan3A_97 = %scan3A_92 to %scan3A_94 step %scan3A_95  : i32 {
        %mul3A_98 = arith.constant 16 : i32
        %mul3A_99 = arith.muli %scan3A_97, %mul3A_98 : i32
        %add3A_100 = arith.constant 0 : i32
        %add3A_101 = arith.addi %add3A_100, %mul3A_99 : i32
        %broadcast_in_dim3A = arith.constant 0.000000e+00 : f32
        %broadcast_in_dim3A_102 = vector.broadcast %broadcast_in_dim3A : f32 to vector<1x16xf32>
        %swap3A = arith.index_cast %add3A_91 : i32 to index
        %swap3A_103 = arith.index_cast %add3A_101 : i32 to index
        %swap3A_104 = tpu.vector_load %arg9[%swap3A, %swap3A_103] {strides = array<i32>} : memref<128x128xf32, #tpu.memory_space<vmem>>, vector<1x16xf32>,
        %swap3A_105 = vector.shape_cast %swap3A_104 : vector<1x16xf32> to vector<1x16xf32>
        %swap3A_106 = vector.shape_cast %broadcast_in_dim3A_102 : vector<1x16xf32> to vector<1x16xf32>
        tpu.vector_store %arg9[%swap3A, %swap3A_103], %swap3A_106 {strides = array<i32>} : memref<128x128xf32, #tpu.memory_space<vmem>>, vector<1x16xf32>,
      }
      %scan3A_96 = arith.constant 8 : i32
    }
    %scan3A_20 = arith.constant 128 : i32
    %mul3A = arith.constant 626 : i32
    %mul3A_21 = arith.muli %arg1, %mul3A : i32
    "tpu.region"() ({
      %run_scoped3A_87 = tpu.sem_alloc : memref<!tpu.dma_semaphore, #tpu.memory_space<semaphore_mem>>
      %dma_start3A_88 = arith.constant 0 : i32
      %dma_start3A_89 = arith.constant 0 : i32
      %dma_start3A_90 = tpu.memref_slice %arg9[%dma_start3A_88, %dma_start3A_89] : memref<128x128xf32, #tpu.memory_space<vmem>> -> memref<128x128xf32, #tpu.memory_space<vmem>>
      %dma_start3A_91 = arith.constant 0 : i32
      %dma_start3A_92 = tpu.memref_slice %arg10[%mul3A_21, %dma_start3A_91] : memref<10016x128xf32, #tpu.memory_space<vmem_shared>> -> memref<128x128xf32, #tpu.memory_space<vmem_shared>>
      %dma_start3A_93 = arith.constant 0 : i32
      %dma_start3A_94 = tpu.memref_slice %arg10[%mul3A_21, %dma_start3A_93] : memref<10016x128xf32, #tpu.memory_space<vmem_shared>> -> memref<128x128xf32, #tpu.memory_space<vmem_shared>>
      %dma_start3A_95 = arith.constant 0 : i32
      %dma_start3A_96 = arith.constant 0 : i32
      %dma_start3A_97 = tpu.memref_slice %arg9[%dma_start3A_95, %dma_start3A_96] : memref<128x128xf32, #tpu.memory_space<vmem>> -> memref<128x128xf32, #tpu.memory_space<vmem>>
      tpu.enqueue_dma source(%dma_start3A_97 : memref<128x128xf32, #tpu.memory_space<vmem>>) target(%dma_start3A_94 : memref<128x128xf32, #tpu.memory_space<vmem_shared>>) target_semaphore(%run_scoped3A_87 : memref<!tpu.dma_semaphore, #tpu.memory_space<semaphore_mem>>)
      %dma_wait3A_98 = arith.constant 0 : i32
      %dma_wait3A_99 = arith.constant 0 : i32
      %dma_wait3A_100 = tpu.memref_slice %arg9[%dma_wait3A_98, %dma_wait3A_99] : memref<128x128xf32, #tpu.memory_space<vmem>> -> memref<128x128xf32, #tpu.memory_space<vmem>>
      %dma_wait3A_101 = arith.constant 0 : i32
      %dma_wait3A_102 = tpu.memref_slice %arg10[%mul3A_21, %dma_wait3A_101] : memref<10016x128xf32, #tpu.memory_space<vmem_shared>> -> memref<128x128xf32, #tpu.memory_space<vmem_shared>>
      %dma_wait3A_103 = arith.constant 0 : i32
      %dma_wait3A_104 = tpu.memref_slice %arg10[%mul3A_21, %dma_wait3A_103] : memref<10016x128xf32, #tpu.memory_space<vmem_shared>> -> memref<128x128xf32, #tpu.memory_space<vmem_shared>>
      %dma_wait3A_105 = arith.constant 0 : i32
      %dma_wait3A_106 = arith.constant 0 : i32
      %dma_wait3A_107 = tpu.memref_slice %arg9[%dma_wait3A_105, %dma_wait3A_106] : memref<128x128xf32, #tpu.memory_space<vmem>> -> memref<128x128xf32, #tpu.memory_space<vmem>>
      tpu.wait_dma2 semaphore(%run_scoped3A_87 : memref<!tpu.dma_semaphore, #tpu.memory_space<semaphore_mem>>) src(%dma_wait3A_107 : memref<128x128xf32, #tpu.memory_space<vmem>>) dst(%dma_wait3A_104 : memref<128x128xf32, #tpu.memory_space<vmem_shared>>)
      tpu.yield
    }) : () -> ()
    %add3A = arith.constant 128 : i32
    %add3A_22 = arith.addi %mul3A_21, %add3A : i32
    "tpu.region"() ({
      %run_scoped3A_87 = tpu.sem_alloc : memref<!tpu.dma_semaphore, #tpu.memory_space<semaphore_mem>>
      %dma_start3A_88 = arith.constant 0 : i32
      %dma_start3A_89 = arith.constant 0 : i32
      %dma_start3A_90 = tpu.memref_slice %arg9[%dma_start3A_88, %dma_start3A_89] : memref<128x128xf32, #tpu.memory_space<vmem>> -> memref<128x128xf32, #tpu.memory_space<vmem>>
      %dma_start3A_91 = arith.constant 0 : i32
      %dma_start3A_92 = tpu.memref_slice %arg10[%add3A_22, %dma_start3A_91] : memref<10016x128xf32, #tpu.memory_space<vmem_shared>> -> memref<128x128xf32, #tpu.memory_space<vmem_shared>>
      %dma_start3A_93 = arith.constant 0 : i32
      %dma_start3A_94 = tpu.memref_slice %arg10[%add3A_22, %dma_start3A_93] : memref<10016x128xf32, #tpu.memory_space<vmem_shared>> -> memref<128x128xf32, #tpu.memory_space<vmem_shared>>
      %dma_start3A_95 = arith.constant 0 : i32
      %dma_start3A_96 = arith.constant 0 : i32
      %dma_start3A_97 = tpu.memref_slice %arg9[%dma_start3A_95, %dma_start3A_96] : memref<128x128xf32, #tpu.memory_space<vmem>> -> memref<128x128xf32, #tpu.memory_space<vmem>>
      tpu.enqueue_dma source(%dma_start3A_97 : memref<128x128xf32, #tpu.memory_space<vmem>>) target(%dma_start3A_94 : memref<128x128xf32, #tpu.memory_space<vmem_shared>>) target_semaphore(%run_scoped3A_87 : memref<!tpu.dma_semaphore, #tpu.memory_space<semaphore_mem>>)
      %dma_wait3A_98 = arith.constant 0 : i32
      %dma_wait3A_99 = arith.constant 0 : i32
      %dma_wait3A_100 = tpu.memref_slice %arg9[%dma_wait3A_98, %dma_wait3A_99] : memref<128x128xf32, #tpu.memory_space<vmem>> -> memref<128x128xf32, #tpu.memory_space<vmem>>
      %dma_wait3A_101 = arith.constant 0 : i32
      %dma_wait3A_102 = tpu.memref_slice %arg10[%add3A_22, %dma_wait3A_101] : memref<10016x128xf32, #tpu.memory_space<vmem_shared>> -> memref<128x128xf32, #tpu.memory_space<vmem_shared>>
      %dma_wait3A_103 = arith.constant 0 : i32
      %dma_wait3A_104 = tpu.memref_slice %arg10[%add3A_22, %dma_wait3A_103] : memref<10016x128xf32, #tpu.memory_space<vmem_shared>> -> memref<128x128xf32, #tpu.memory_space<vmem_shared>>
      %dma_wait3A_105 = arith.constant 0 : i32
      %dma_wait3A_106 = arith.constant 0 : i32
      %dma_wait3A_107 = tpu.memref_slice %arg9[%dma_wait3A_105, %dma_wait3A_106] : memref<128x128xf32, #tpu.memory_space<vmem>> -> memref<128x128xf32, #tpu.memory_space<vmem>>
      tpu.wait_dma2 semaphore(%run_scoped3A_87 : memref<!tpu.dma_semaphore, #tpu.memory_space<semaphore_mem>>) src(%dma_wait3A_107 : memref<128x128xf32, #tpu.memory_space<vmem>>) dst(%dma_wait3A_104 : memref<128x128xf32, #tpu.memory_space<vmem_shared>>)
      tpu.yield
    }) : () -> ()
    %add3A_23 = arith.constant 256 : i32
    %add3A_24 = arith.addi %mul3A_21, %add3A_23 : i32
    "tpu.region"() ({
      %run_scoped3A_87 = tpu.sem_alloc : memref<!tpu.dma_semaphore, #tpu.memory_space<semaphore_mem>>
      %dma_start3A_88 = arith.constant 0 : i32
      %dma_start3A_89 = arith.constant 0 : i32
      %dma_start3A_90 = tpu.memref_slice %arg9[%dma_start3A_88, %dma_start3A_89] : memref<128x128xf32, #tpu.memory_space<vmem>> -> memref<128x128xf32, #tpu.memory_space<vmem>>
      %dma_start3A_91 = arith.constant 0 : i32
      %dma_start3A_92 = tpu.memref_slice %arg10[%add3A_24, %dma_start3A_91] : memref<10016x128xf32, #tpu.memory_space<vmem_shared>> -> memref<128x128xf32, #tpu.memory_space<vmem_shared>>
      %dma_start3A_93 = arith.constant 0 : i32
      %dma_start3A_94 = tpu.memref_slice %arg10[%add3A_24, %dma_start3A_93] : memref<10016x128xf32, #tpu.memory_space<vmem_shared>> -> memref<128x128xf32, #tpu.memory_space<vmem_shared>>
      %dma_start3A_95 = arith.constant 0 : i32
      %dma_start3A_96 = arith.constant 0 : i32
      %dma_start3A_97 = tpu.memref_slice %arg9[%dma_start3A_95, %dma_start3A_96] : memref<128x128xf32, #tpu.memory_space<vmem>> -> memref<128x128xf32, #tpu.memory_space<vmem>>
      tpu.enqueue_dma source(%dma_start3A_97 : memref<128x128xf32, #tpu.memory_space<vmem>>) target(%dma_start3A_94 : memref<128x128xf32, #tpu.memory_space<vmem_shared>>) target_semaphore(%run_scoped3A_87 : memref<!tpu.dma_semaphore, #tpu.memory_space<semaphore_mem>>)
      %dma_wait3A_98 = arith.constant 0 : i32
      %dma_wait3A_99 = arith.constant 0 : i32
      %dma_wait3A_100 = tpu.memref_slice %arg9[%dma_wait3A_98, %dma_wait3A_99] : memref<128x128xf32, #tpu.memory_space<vmem>> -> memref<128x128xf32, #tpu.memory_space<vmem>>
      %dma_wait3A_101 = arith.constant 0 : i32
      %dma_wait3A_102 = tpu.memref_slice %arg10[%add3A_24, %dma_wait3A_101] : memref<10016x128xf32, #tpu.memory_space<vmem_shared>> -> memref<128x128xf32, #tpu.memory_space<vmem_shared>>
      %dma_wait3A_103 = arith.constant 0 : i32
      %dma_wait3A_104 = tpu.memref_slice %arg10[%add3A_24, %dma_wait3A_103] : memref<10016x128xf32, #tpu.memory_space<vmem_shared>> -> memref<128x128xf32, #tpu.memory_space<vmem_shared>>
      %dma_wait3A_105 = arith.constant 0 : i32
      %dma_wait3A_106 = arith.constant 0 : i32
      %dma_wait3A_107 = tpu.memref_slice %arg9[%dma_wait3A_105, %dma_wait3A_106] : memref<128x128xf32, #tpu.memory_space<vmem>> -> memref<128x128xf32, #tpu.memory_space<vmem>>
      tpu.wait_dma2 semaphore(%run_scoped3A_87 : memref<!tpu.dma_semaphore, #tpu.memory_space<semaphore_mem>>) src(%dma_wait3A_107 : memref<128x128xf32, #tpu.memory_space<vmem>>) dst(%dma_wait3A_104 : memref<128x128xf32, #tpu.memory_space<vmem_shared>>)
      tpu.yield
    }) : () -> ()
    %add3A_25 = arith.constant 384 : i32
    %add3A_26 = arith.addi %mul3A_21, %add3A_25 : i32
    "tpu.region"() ({
      %run_scoped3A_87 = tpu.sem_alloc : memref<!tpu.dma_semaphore, #tpu.memory_space<semaphore_mem>>
      %dma_start3A_88 = arith.constant 0 : i32
      %dma_start3A_89 = arith.constant 0 : i32
      %dma_start3A_90 = tpu.memref_slice %arg9[%dma_start3A_88, %dma_start3A_89] : memref<128x128xf32, #tpu.memory_space<vmem>> -> memref<128x128xf32, #tpu.memory_space<vmem>>
      %dma_start3A_91 = arith.constant 0 : i32
      %dma_start3A_92 = tpu.memref_slice %arg10[%add3A_26, %dma_start3A_91] : memref<10016x128xf32, #tpu.memory_space<vmem_shared>> -> memref<128x128xf32, #tpu.memory_space<vmem_shared>>
      %dma_start3A_93 = arith.constant 0 : i32
      %dma_start3A_94 = tpu.memref_slice %arg10[%add3A_26, %dma_start3A_93] : memref<10016x128xf32, #tpu.memory_space<vmem_shared>> -> memref<128x128xf32, #tpu.memory_space<vmem_shared>>
      %dma_start3A_95 = arith.constant 0 : i32
      %dma_start3A_96 = arith.constant 0 : i32
      %dma_start3A_97 = tpu.memref_slice %arg9[%dma_start3A_95, %dma_start3A_96] : memref<128x128xf32, #tpu.memory_space<vmem>> -> memref<128x128xf32, #tpu.memory_space<vmem>>
      tpu.enqueue_dma source(%dma_start3A_97 : memref<128x128xf32, #tpu.memory_space<vmem>>) target(%dma_start3A_94 : memref<128x128xf32, #tpu.memory_space<vmem_shared>>) target_semaphore(%run_scoped3A_87 : memref<!tpu.dma_semaphore, #tpu.memory_space<semaphore_mem>>)
      %dma_wait3A_98 = arith.constant 0 : i32
      %dma_wait3A_99 = arith.constant 0 : i32
      %dma_wait3A_100 = tpu.memref_slice %arg9[%dma_wait3A_98, %dma_wait3A_99] : memref<128x128xf32, #tpu.memory_space<vmem>> -> memref<128x128xf32, #tpu.memory_space<vmem>>
      %dma_wait3A_101 = arith.constant 0 : i32
      %dma_wait3A_102 = tpu.memref_slice %arg10[%add3A_26, %dma_wait3A_101] : memref<10016x128xf32, #tpu.memory_space<vmem_shared>> -> memref<128x128xf32, #tpu.memory_space<vmem_shared>>
      %dma_wait3A_103 = arith.constant 0 : i32
      %dma_wait3A_104 = tpu.memref_slice %arg10[%add3A_26, %dma_wait3A_103] : memref<10016x128xf32, #tpu.memory_space<vmem_shared>> -> memref<128x128xf32, #tpu.memory_space<vmem_shared>>
      %dma_wait3A_105 = arith.constant 0 : i32
      %dma_wait3A_106 = arith.constant 0 : i32
      %dma_wait3A_107 = tpu.memref_slice %arg9[%dma_wait3A_105, %dma_wait3A_106] : memref<128x128xf32, #tpu.memory_space<vmem>> -> memref<128x128xf32, #tpu.memory_space<vmem>>
      tpu.wait_dma2 semaphore(%run_scoped3A_87 : memref<!tpu.dma_semaphore, #tpu.memory_space<semaphore_mem>>) src(%dma_wait3A_107 : memref<128x128xf32, #tpu.memory_space<vmem>>) dst(%dma_wait3A_104 : memref<128x128xf32, #tpu.memory_space<vmem_shared>>)
      tpu.yield
    }) : () -> ()
    %add3A_27 = arith.constant 512 : i32
    %add3A_28 = arith.addi %mul3A_21, %add3A_27 : i32
    "tpu.region"() ({
      %run_scoped3A_87 = tpu.sem_alloc : memref<!tpu.dma_semaphore, #tpu.memory_space<semaphore_mem>>
      %dma_start3A_88 = arith.constant 0 : i32
      %dma_start3A_89 = arith.constant 0 : i32
      %dma_start3A_90 = tpu.memref_slice %arg9[%dma_start3A_88, %dma_start3A_89] : memref<128x128xf32, #tpu.memory_space<vmem>> -> memref<114x128xf32, #tpu.memory_space<vmem>>
      %dma_start3A_91 = arith.constant 0 : i32
      %dma_start3A_92 = tpu.memref_slice %arg10[%add3A_28, %dma_start3A_91] : memref<10016x128xf32, #tpu.memory_space<vmem_shared>> -> memref<114x128xf32, #tpu.memory_space<vmem_shared>>
      %dma_start3A_93 = arith.constant 0 : i32
      %dma_start3A_94 = tpu.memref_slice %arg10[%add3A_28, %dma_start3A_93] : memref<10016x128xf32, #tpu.memory_space<vmem_shared>> -> memref<114x128xf32, #tpu.memory_space<vmem_shared>>
      %dma_start3A_95 = arith.constant 0 : i32
      %dma_start3A_96 = arith.constant 0 : i32
      %dma_start3A_97 = tpu.memref_slice %arg9[%dma_start3A_95, %dma_start3A_96] : memref<128x128xf32, #tpu.memory_space<vmem>> -> memref<114x128xf32, #tpu.memory_space<vmem>>
      tpu.enqueue_dma source(%dma_start3A_97 : memref<114x128xf32, #tpu.memory_space<vmem>>) target(%dma_start3A_94 : memref<114x128xf32, #tpu.memory_space<vmem_shared>>) target_semaphore(%run_scoped3A_87 : memref<!tpu.dma_semaphore, #tpu.memory_space<semaphore_mem>>)
      %dma_wait3A_98 = arith.constant 0 : i32
      %dma_wait3A_99 = arith.constant 0 : i32
      %dma_wait3A_100 = tpu.memref_slice %arg9[%dma_wait3A_98, %dma_wait3A_99] : memref<128x128xf32, #tpu.memory_space<vmem>> -> memref<114x128xf32, #tpu.memory_space<vmem>>
      %dma_wait3A_101 = arith.constant 0 : i32
      %dma_wait3A_102 = tpu.memref_slice %arg10[%add3A_28, %dma_wait3A_101] : memref<10016x128xf32, #tpu.memory_space<vmem_shared>> -> memref<114x128xf32, #tpu.memory_space<vmem_shared>>
      %dma_wait3A_103 = arith.constant 0 : i32
      %dma_wait3A_104 = tpu.memref_slice %arg10[%add3A_28, %dma_wait3A_103] : memref<10016x128xf32, #tpu.memory_space<vmem_shared>> -> memref<114x128xf32, #tpu.memory_space<vmem_shared>>
      %dma_wait3A_105 = arith.constant 0 : i32
      %dma_wait3A_106 = arith.constant 0 : i32
      %dma_wait3A_107 = tpu.memref_slice %arg9[%dma_wait3A_105, %dma_wait3A_106] : memref<128x128xf32, #tpu.memory_space<vmem>> -> memref<114x128xf32, #tpu.memory_space<vmem>>
      tpu.wait_dma2 semaphore(%run_scoped3A_87 : memref<!tpu.dma_semaphore, #tpu.memory_space<semaphore_mem>>) src(%dma_wait3A_107 : memref<114x128xf32, #tpu.memory_space<vmem>>) dst(%dma_wait3A_104 : memref<114x128xf32, #tpu.memory_space<vmem_shared>>)
      tpu.yield
    }) : () -> ()
    %barrier3A = arith.constant 0 : index
    tpu.barrier barrier_id(%barrier3A)
    %dma_wait3A = arith.constant 0 : i32
    %dma_wait3A_29 = arith.constant 0 : i32
    %dma_wait3A_30 = arith.constant 0 : i32
    %dma_wait3A_31 = tpu.memref_slice %arg3[%arg0, %arg1, %dma_wait3A, %dma_wait3A_29, %dma_wait3A_30] : memref<2x16x158x2x128xi32, #tpu.memory_space<hbm>> -> memref<1x1x1x2x128xi32, #tpu.memory_space<hbm>>
    %dma_wait3A_32 = tpu.memref_squeeze %dma_wait3A_31 : memref<1x1x1x2x128xi32, #tpu.memory_space<hbm>> -> memref<2x128xi32, #tpu.memory_space<hbm>>
    %dma_wait3A_33 = arith.constant 0 : i32
    %dma_wait3A_34 = arith.constant 0 : i32
    %dma_wait3A_35 = tpu.memref_slice %arg3[%arg0, %arg1, %dma_wait3A, %dma_wait3A_33, %dma_wait3A_34] : memref<2x16x158x2x128xi32, #tpu.memory_space<hbm>> -> memref<1x1x1x2x128xi32, #tpu.memory_space<hbm>>
    %dma_wait3A_36 = tpu.memref_squeeze %dma_wait3A_35 : memref<1x1x1x2x128xi32, #tpu.memory_space<hbm>> -> memref<2x128xi32, #tpu.memory_space<hbm>>
    tpu.wait_dma2 semaphore(%arg11 : memref<!tpu.dma_semaphore, #tpu.memory_space<semaphore_mem>>) src(%dma_wait3A_36 : memref<2x128xi32, #tpu.memory_space<hbm>>) dst(%arg5 : memref<2x128xi32, #tpu.memory_space<vmem>>)
    %dma_start3A_37 = arith.constant 0 : i32
    %dma_start3A_38 = arith.constant 0 : i32
    %dma_start3A_39 = tpu.memref_slice %arg5[%dma_start3A_37, %dma_start3A_38] : memref<2x128xi32, #tpu.memory_space<vmem>> -> memref<1x128xi32, #tpu.memory_space<vmem>>
    %dma_start3A_40 = tpu.memref_squeeze %dma_start3A_39 : memref<1x128xi32, #tpu.memory_space<vmem>> -> memref<128xi32, #tpu.memory_space<vmem>>
    %dma_start3A_41 = arith.constant 0 : i32
    %dma_start3A_42 = arith.constant 0 : i32
    %dma_start3A_43 = tpu.memref_slice %arg2[%dma_start3A_41, %dma_start3A_42] : memref<10000x128xf32, #tpu.memory_space<hbm>> -> memref<10000x128xf32, #tpu.memory_space<hbm>>
    tpu.enqueue_indirect_dma source(%dma_start3A_43 : memref<10000x128xf32, #tpu.memory_space<hbm>>) target(%arg7 : memref<128x128xf32, #tpu.memory_space<vmem>>) offsets(%dma_start3A_40 : memref<128xi32, #tpu.memory_space<vmem>>) semaphore(%arg13 : memref<!tpu.dma_semaphore, #tpu.memory_space<semaphore_mem>>)
    %scan3A_44 = arith.constant 0 : i32
    %scan3A_45 = arith.constant 78 : i32
    %scan3A_46 = arith.addi %scan3A_44, %scan3A_45 : i32
    %scan3A_47 = arith.constant 1 : i32
    scf.for %scan3A_87 = %scan3A_44 to %scan3A_46 step %scan3A_47  : i32 {
      %mul3A_88 = arith.constant 2 : i32
      %mul3A_89 = arith.muli %scan3A_87, %mul3A_88 : i32
      %add3A_90 = arith.constant 0 : i32
      %add3A_91 = arith.addi %add3A_90, %mul3A_89 : i32
      %add3A_92 = arith.constant 0 : i32
      %add3A_93 = arith.addi %add3A_91, %add3A_92 : i32
      %dma_wait3A_94 = arith.constant 0 : i32
      %dma_wait3A_95 = arith.constant 0 : i32
      %dma_wait3A_96 = arith.constant 0 : i32
      %dma_wait3A_97 = tpu.memref_slice %arg3[%arg0, %arg1, %dma_wait3A_94, %dma_wait3A_95, %dma_wait3A_96] : memref<2x16x158x2x128xi32, #tpu.memory_space<hbm>> -> memref<1x1x1x2x128xi32, #tpu.memory_space<hbm>>
      %dma_wait3A_98 = tpu.memref_squeeze %dma_wait3A_97 : memref<1x1x1x2x128xi32, #tpu.memory_space<hbm>> -> memref<2x128xi32, #tpu.memory_space<hbm>>
      %dma_wait3A_99 = arith.constant 0 : i32
      %dma_wait3A_100 = arith.constant 0 : i32
      %dma_wait3A_101 = tpu.memref_slice %arg3[%arg0, %arg1, %dma_wait3A_94, %dma_wait3A_99, %dma_wait3A_100] : memref<2x16x158x2x128xi32, #tpu.memory_space<hbm>> -> memref<1x1x1x2x128xi32, #tpu.memory_space<hbm>>
      %dma_wait3A_102 = tpu.memref_squeeze %dma_wait3A_101 : memref<1x1x1x2x128xi32, #tpu.memory_space<hbm>> -> memref<2x128xi32, #tpu.memory_space<hbm>>
      tpu.wait_dma2 semaphore(%arg12 : memref<!tpu.dma_semaphore, #tpu.memory_space<semaphore_mem>>) src(%dma_wait3A_102 : memref<2x128xi32, #tpu.memory_space<hbm>>) dst(%arg6 : memref<2x128xi32, #tpu.memory_space<vmem>>)
      %dma_start3A_103 = arith.constant 0 : i32
      %dma_start3A_104 = arith.constant 0 : i32
      %dma_start3A_105 = tpu.memref_slice %arg6[%dma_start3A_103, %dma_start3A_104] : memref<2x128xi32, #tpu.memory_space<vmem>> -> memref<1x128xi32, #tpu.memory_space<vmem>>
      %dma_start3A_106 = tpu.memref_squeeze %dma_start3A_105 : memref<1x128xi32, #tpu.memory_space<vmem>> -> memref<128xi32, #tpu.memory_space<vmem>>
      %dma_start3A_107 = arith.constant 0 : i32
      %dma_start3A_108 = arith.constant 0 : i32
      %dma_start3A_109 = tpu.memref_slice %arg2[%dma_start3A_107, %dma_start3A_108] : memref<10000x128xf32, #tpu.memory_space<hbm>> -> memref<10000x128xf32, #tpu.memory_space<hbm>>
      tpu.enqueue_indirect_dma source(%dma_start3A_109 : memref<10000x128xf32, #tpu.memory_space<hbm>>) target(%arg8 : memref<128x128xf32, #tpu.memory_space<vmem>>) offsets(%dma_start3A_106 : memref<128xi32, #tpu.memory_space<vmem>>) semaphore(%arg14 : memref<!tpu.dma_semaphore, #tpu.memory_space<semaphore_mem>>)
      %dma_wait3A_110 = arith.constant 0 : i32
      %dma_wait3A_111 = arith.constant 0 : i32
      %dma_wait3A_112 = tpu.memref_slice %arg2[%dma_wait3A_110, %dma_wait3A_111] : memref<10000x128xf32, #tpu.memory_space<hbm>> -> memref<128x128xf32, #tpu.memory_space<hbm>>
      %dma_wait3A_113 = arith.constant 0 : i32
      %dma_wait3A_114 = arith.constant 0 : i32
      %dma_wait3A_115 = tpu.memref_slice %arg2[%dma_wait3A_113, %dma_wait3A_114] : memref<10000x128xf32, #tpu.memory_space<hbm>> -> memref<128x128xf32, #tpu.memory_space<hbm>>
      tpu.wait_dma2 semaphore(%arg13 : memref<!tpu.dma_semaphore, #tpu.memory_space<semaphore_mem>>) src(%dma_wait3A_115 : memref<128x128xf32, #tpu.memory_space<hbm>>) dst(%arg7 : memref<128x128xf32, #tpu.memory_space<vmem>>)
      %run_scoped3A_116 = arith.constant 1 : i32
      "tpu.region"() ({
        %run_scoped3A_162 = tpu.sem_alloc : memref<!tpu.dma_semaphore, #tpu.memory_space<semaphore_mem>>
        %dma_start3A_163 = arith.constant 0 : i32
        %dma_start3A_164 = tpu.memref_slice %arg5[%run_scoped3A_116, %dma_start3A_163] : memref<2x128xi32, #tpu.memory_space<vmem>> -> memref<1x128xi32, #tpu.memory_space<vmem>>
        %dma_start3A_165 = tpu.memref_squeeze %dma_start3A_164 : memref<1x128xi32, #tpu.memory_space<vmem>> -> memref<128xi32, #tpu.memory_space<vmem>>
        %dma_start3A_166 = arith.constant 0 : i32
        %dma_start3A_167 = arith.constant 0 : i32
        %dma_start3A_168 = tpu.memref_slice %arg10[%dma_start3A_166, %dma_start3A_167] : memref<10016x128xf32, #tpu.memory_space<vmem_shared>> -> memref<10016x128xf32, #tpu.memory_space<vmem_shared>>
        tpu.enqueue_indirect_dma source(%arg7 : memref<128x128xf32, #tpu.memory_space<vmem>>) target(%dma_start3A_168 : memref<10016x128xf32, #tpu.memory_space<vmem_shared>>) offsets(%dma_start3A_165 : memref<128xi32, #tpu.memory_space<vmem>>) semaphore(%run_scoped3A_162 : memref<!tpu.dma_semaphore, #tpu.memory_space<semaphore_mem>>) {add = true}
        %dma_wait3A_169 = arith.constant 0 : i32
        %dma_wait3A_170 = tpu.memref_slice %arg5[%run_scoped3A_116, %dma_wait3A_169] : memref<2x128xi32, #tpu.memory_space<vmem>> -> memref<1x128xi32, #tpu.memory_space<vmem>>
        %dma_wait3A_171 = tpu.memref_squeeze %dma_wait3A_170 : memref<1x128xi32, #tpu.memory_space<vmem>> -> memref<128xi32, #tpu.memory_space<vmem>>
        %dma_wait3A_172 = arith.constant 0 : i32
        %dma_wait3A_173 = arith.constant 0 : i32
        %dma_wait3A_174 = tpu.memref_slice %arg10[%dma_wait3A_172, %dma_wait3A_173] : memref<10016x128xf32, #tpu.memory_space<vmem_shared>> -> memref<10016x128xf32, #tpu.memory_space<vmem_shared>>
        tpu.wait_indirect_dma semaphore(%run_scoped3A_162 : memref<!tpu.dma_semaphore, #tpu.memory_space<semaphore_mem>>) src(%arg7 : memref<128x128xf32, #tpu.memory_space<vmem>>) dst(%dma_wait3A_174 : memref<10016x128xf32, #tpu.memory_space<vmem_shared>>)
        tpu.yield
      }) : () -> ()
      %add3A_117 = arith.constant 2 : i32
      %add3A_118 = arith.addi %add3A_93, %add3A_117 : i32
      %dma_start3A_119 = arith.constant 0 : i32
      %dma_start3A_120 = arith.constant 0 : i32
      %dma_start3A_121 = tpu.memref_slice %arg3[%arg0, %arg1, %add3A_118, %dma_start3A_119, %dma_start3A_120] : memref<2x16x158x2x128xi32, #tpu.memory_space<hbm>> -> memref<1x1x1x2x128xi32, #tpu.memory_space<hbm>>
      %dma_start3A_122 = tpu.memref_squeeze %dma_start3A_121 : memref<1x1x1x2x128xi32, #tpu.memory_space<hbm>> -> memref<2x128xi32, #tpu.memory_space<hbm>>
      %dma_start3A_123 = arith.constant 0 : i32
      %dma_start3A_124 = arith.constant 0 : i32
      %dma_start3A_125 = tpu.memref_slice %arg3[%arg0, %arg1, %add3A_118, %dma_start3A_123, %dma_start3A_124] : memref<2x16x158x2x128xi32, #tpu.memory_space<hbm>> -> memref<1x1x1x2x128xi32, #tpu.memory_space<hbm>>
      %dma_start3A_126 = tpu.memref_squeeze %dma_start3A_125 : memref<1x1x1x2x128xi32, #tpu.memory_space<hbm>> -> memref<2x128xi32, #tpu.memory_space<hbm>>
      tpu.enqueue_dma source(%dma_start3A_126 : memref<2x128xi32, #tpu.memory_space<hbm>>) target(%arg5 : memref<2x128xi32, #tpu.memory_space<vmem>>) target_semaphore(%arg11 : memref<!tpu.dma_semaphore, #tpu.memory_space<semaphore_mem>>)
      %add3A_127 = arith.constant 1 : i32
      %add3A_128 = arith.addi %add3A_91, %add3A_127 : i32
      %dma_wait3A_129 = arith.constant 0 : i32
      %dma_wait3A_130 = arith.constant 0 : i32
      %dma_wait3A_131 = arith.constant 0 : i32
      %dma_wait3A_132 = tpu.memref_slice %arg3[%arg0, %arg1, %dma_wait3A_129, %dma_wait3A_130, %dma_wait3A_131] : memref<2x16x158x2x128xi32, #tpu.memory_space<hbm>> -> memref<1x1x1x2x128xi32, #tpu.memory_space<hbm>>
      %dma_wait3A_133 = tpu.memref_squeeze %dma_wait3A_132 : memref<1x1x1x2x128xi32, #tpu.memory_space<hbm>> -> memref<2x128xi32, #tpu.memory_space<hbm>>
      %dma_wait3A_134 = arith.constant 0 : i32
      %dma_wait3A_135 = arith.constant 0 : i32
      %dma_wait3A_136 = tpu.memref_slice %arg3[%arg0, %arg1, %dma_wait3A_129, %dma_wait3A_134, %dma_wait3A_135] : memref<2x16x158x2x128xi32, #tpu.memory_space<hbm>> -> memref<1x1x1x2x128xi32, #tpu.memory_space<hbm>>
      %dma_wait3A_137 = tpu.memref_squeeze %dma_wait3A_136 : memref<1x1x1x2x128xi32, #tpu.memory_space<hbm>> -> memref<2x128xi32, #tpu.memory_space<hbm>>
      tpu.wait_dma2 semaphore(%arg11 : memref<!tpu.dma_semaphore, #tpu.memory_space<semaphore_mem>>) src(%dma_wait3A_137 : memref<2x128xi32, #tpu.memory_space<hbm>>) dst(%arg5 : memref<2x128xi32, #tpu.memory_space<vmem>>)
      %dma_start3A_138 = arith.constant 0 : i32
      %dma_start3A_139 = arith.constant 0 : i32
      %dma_start3A_140 = tpu.memref_slice %arg5[%dma_start3A_138, %dma_start3A_139] : memref<2x128xi32, #tpu.memory_space<vmem>> -> memref<1x128xi32, #tpu.memory_space<vmem>>
      %dma_start3A_141 = tpu.memref_squeeze %dma_start3A_140 : memref<1x128xi32, #tpu.memory_space<vmem>> -> memref<128xi32, #tpu.memory_space<vmem>>
      %dma_start3A_142 = arith.constant 0 : i32
      %dma_start3A_143 = arith.constant 0 : i32
      %dma_start3A_144 = tpu.memref_slice %arg2[%dma_start3A_142, %dma_start3A_143] : memref<10000x128xf32, #tpu.memory_space<hbm>> -> memref<10000x128xf32, #tpu.memory_space<hbm>>
      tpu.enqueue_indirect_dma source(%dma_start3A_144 : memref<10000x128xf32, #tpu.memory_space<hbm>>) target(%arg7 : memref<128x128xf32, #tpu.memory_space<vmem>>) offsets(%dma_start3A_141 : memref<128xi32, #tpu.memory_space<vmem>>) semaphore(%arg13 : memref<!tpu.dma_semaphore, #tpu.memory_space<semaphore_mem>>)
      %dma_wait3A_145 = arith.constant 0 : i32
      %dma_wait3A_146 = arith.constant 0 : i32
      %dma_wait3A_147 = tpu.memref_slice %arg2[%dma_wait3A_145, %dma_wait3A_146] : memref<10000x128xf32, #tpu.memory_space<hbm>> -> memref<128x128xf32, #tpu.memory_space<hbm>>
      %dma_wait3A_148 = arith.constant 0 : i32
      %dma_wait3A_149 = arith.constant 0 : i32
      %dma_wait3A_150 = tpu.memref_slice %arg2[%dma_wait3A_148, %dma_wait3A_149] : memref<10000x128xf32, #tpu.memory_space<hbm>> -> memref<128x128xf32, #tpu.memory_space<hbm>>
      tpu.wait_dma2 semaphore(%arg14 : memref<!tpu.dma_semaphore, #tpu.memory_space<semaphore_mem>>) src(%dma_wait3A_150 : memref<128x128xf32, #tpu.memory_space<hbm>>) dst(%arg8 : memref<128x128xf32, #tpu.memory_space<vmem>>)
      %run_scoped3A_151 = arith.constant 1 : i32
      "tpu.region"() ({
        %run_scoped3A_162 = tpu.sem_alloc : memref<!tpu.dma_semaphore, #tpu.memory_space<semaphore_mem>>
        %dma_start3A_163 = arith.constant 0 : i32
        %dma_start3A_164 = tpu.memref_slice %arg6[%run_scoped3A_151, %dma_start3A_163] : memref<2x128xi32, #tpu.memory_space<vmem>> -> memref<1x128xi32, #tpu.memory_space<vmem>>
        %dma_start3A_165 = tpu.memref_squeeze %dma_start3A_164 : memref<1x128xi32, #tpu.memory_space<vmem>> -> memref<128xi32, #tpu.memory_space<vmem>>
        %dma_start3A_166 = arith.constant 0 : i32
        %dma_start3A_167 = arith.constant 0 : i32
        %dma_start3A_168 = tpu.memref_slice %arg10[%dma_start3A_166, %dma_start3A_167] : memref<10016x128xf32, #tpu.memory_space<vmem_shared>> -> memref<10016x128xf32, #tpu.memory_space<vmem_shared>>
        tpu.enqueue_indirect_dma source(%arg8 : memref<128x128xf32, #tpu.memory_space<vmem>>) target(%dma_start3A_168 : memref<10016x128xf32, #tpu.memory_space<vmem_shared>>) offsets(%dma_start3A_165 : memref<128xi32, #tpu.memory_space<vmem>>) semaphore(%run_scoped3A_162 : memref<!tpu.dma_semaphore, #tpu.memory_space<semaphore_mem>>) {add = true}
        %dma_wait3A_169 = arith.constant 0 : i32
        %dma_wait3A_170 = tpu.memref_slice %arg6[%run_scoped3A_151, %dma_wait3A_169] : memref<2x128xi32, #tpu.memory_space<vmem>> -> memref<1x128xi32, #tpu.memory_space<vmem>>
        %dma_wait3A_171 = tpu.memref_squeeze %dma_wait3A_170 : memref<1x128xi32, #tpu.memory_space<vmem>> -> memref<128xi32, #tpu.memory_space<vmem>>
        %dma_wait3A_172 = arith.constant 0 : i32
        %dma_wait3A_173 = arith.constant 0 : i32
        %dma_wait3A_174 = tpu.memref_slice %arg10[%dma_wait3A_172, %dma_wait3A_173] : memref<10016x128xf32, #tpu.memory_space<vmem_shared>> -> memref<10016x128xf32, #tpu.memory_space<vmem_shared>>
        tpu.wait_indirect_dma semaphore(%run_scoped3A_162 : memref<!tpu.dma_semaphore, #tpu.memory_space<semaphore_mem>>) src(%arg8 : memref<128x128xf32, #tpu.memory_space<vmem>>) dst(%dma_wait3A_174 : memref<10016x128xf32, #tpu.memory_space<vmem_shared>>)
        tpu.yield
      }) : () -> ()
      %add3A_152 = arith.constant 2 : i32
      %add3A_153 = arith.addi %add3A_128, %add3A_152 : i32
      %dma_start3A_154 = arith.constant 0 : i32
      %dma_start3A_155 = arith.constant 0 : i32
      %dma_start3A_156 = tpu.memref_slice %arg3[%arg0, %arg1, %add3A_153, %dma_start3A_154, %dma_start3A_155] : memref<2x16x158x2x128xi32, #tpu.memory_space<hbm>> -> memref<1x1x1x2x128xi32, #tpu.memory_space<hbm>>
      %dma_start3A_157 = tpu.memref_squeeze %dma_start3A_156 : memref<1x1x1x2x128xi32, #tpu.memory_space<hbm>> -> memref<2x128xi32, #tpu.memory_space<hbm>>
      %dma_start3A_158 = arith.constant 0 : i32
      %dma_start3A_159 = arith.constant 0 : i32
      %dma_start3A_160 = tpu.memref_slice %arg3[%arg0, %arg1, %add3A_153, %dma_start3A_158, %dma_start3A_159] : memref<2x16x158x2x128xi32, #tpu.memory_space<hbm>> -> memref<1x1x1x2x128xi32, #tpu.memory_space<hbm>>
      %dma_start3A_161 = tpu.memref_squeeze %dma_start3A_160 : memref<1x1x1x2x128xi32, #tpu.memory_space<hbm>> -> memref<2x128xi32, #tpu.memory_space<hbm>>
      tpu.enqueue_dma source(%dma_start3A_161 : memref<2x128xi32, #tpu.memory_space<hbm>>) target(%arg6 : memref<2x128xi32, #tpu.memory_space<vmem>>) target_semaphore(%arg12 : memref<!tpu.dma_semaphore, #tpu.memory_space<semaphore_mem>>)
    }
    %scan3A_48 = arith.constant 78 : i32
    %dma_wait3A_49 = arith.constant 0 : i32
    %dma_wait3A_50 = arith.constant 0 : i32
    %dma_wait3A_51 = arith.constant 0 : i32
    %dma_wait3A_52 = tpu.memref_slice %arg3[%arg0, %arg1, %dma_wait3A_49, %dma_wait3A_50, %dma_wait3A_51] : memref<2x16x158x2x128xi32, #tpu.memory_space<hbm>> -> memref<1x1x1x2x128xi32, #tpu.memory_space<hbm>>
    %dma_wait3A_53 = tpu.memref_squeeze %dma_wait3A_52 : memref<1x1x1x2x128xi32, #tpu.memory_space<hbm>> -> memref<2x128xi32, #tpu.memory_space<hbm>>
    %dma_wait3A_54 = arith.constant 0 : i32
    %dma_wait3A_55 = arith.constant 0 : i32
    %dma_wait3A_56 = tpu.memref_slice %arg3[%arg0, %arg1, %dma_wait3A_49, %dma_wait3A_54, %dma_wait3A_55] : memref<2x16x158x2x128xi32, #tpu.memory_space<hbm>> -> memref<1x1x1x2x128xi32, #tpu.memory_space<hbm>>
    %dma_wait3A_57 = tpu.memref_squeeze %dma_wait3A_56 : memref<1x1x1x2x128xi32, #tpu.memory_space<hbm>> -> memref<2x128xi32, #tpu.memory_space<hbm>>
    tpu.wait_dma2 semaphore(%arg12 : memref<!tpu.dma_semaphore, #tpu.memory_space<semaphore_mem>>) src(%dma_wait3A_57 : memref<2x128xi32, #tpu.memory_space<hbm>>) dst(%arg6 : memref<2x128xi32, #tpu.memory_space<vmem>>)
    %dma_start3A_58 = arith.constant 0 : i32
    %dma_start3A_59 = arith.constant 0 : i32
    %dma_start3A_60 = tpu.memref_slice %arg6[%dma_start3A_58, %dma_start3A_59] : memref<2x128xi32, #tpu.memory_space<vmem>> -> memref<1x128xi32, #tpu.memory_space<vmem>>
    %dma_start3A_61 = tpu.memref_squeeze %dma_start3A_60 : memref<1x128xi32, #tpu.memory_space<vmem>> -> memref<128xi32, #tpu.memory_space<vmem>>
    %dma_start3A_62 = arith.constant 0 : i32
    %dma_start3A_63 = arith.constant 0 : i32
    %dma_start3A_64 = tpu.memref_slice %arg2[%dma_start3A_62, %dma_start3A_63] : memref<10000x128xf32, #tpu.memory_space<hbm>> -> memref<10000x128xf32, #tpu.memory_space<hbm>>
    tpu.enqueue_indirect_dma source(%dma_start3A_64 : memref<10000x128xf32, #tpu.memory_space<hbm>>) target(%arg8 : memref<128x128xf32, #tpu.memory_space<vmem>>) offsets(%dma_start3A_61 : memref<128xi32, #tpu.memory_space<vmem>>) semaphore(%arg14 : memref<!tpu.dma_semaphore, #tpu.memory_space<semaphore_mem>>)
    %dma_wait3A_65 = arith.constant 0 : i32
    %dma_wait3A_66 = arith.constant 0 : i32
    %dma_wait3A_67 = tpu.memref_slice %arg2[%dma_wait3A_65, %dma_wait3A_66] : memref<10000x128xf32, #tpu.memory_space<hbm>> -> memref<128x128xf32, #tpu.memory_space<hbm>>
    %dma_wait3A_68 = arith.constant 0 : i32
    %dma_wait3A_69 = arith.constant 0 : i32
    %dma_wait3A_70 = tpu.memref_slice %arg2[%dma_wait3A_68, %dma_wait3A_69] : memref<10000x128xf32, #tpu.memory_space<hbm>> -> memref<128x128xf32, #tpu.memory_space<hbm>>
    tpu.wait_dma2 semaphore(%arg13 : memref<!tpu.dma_semaphore, #tpu.memory_space<semaphore_mem>>) src(%dma_wait3A_70 : memref<128x128xf32, #tpu.memory_space<hbm>>) dst(%arg7 : memref<128x128xf32, #tpu.memory_space<vmem>>)
    %run_scoped3A = arith.constant 1 : i32
    "tpu.region"() ({
      %run_scoped3A_87 = tpu.sem_alloc : memref<!tpu.dma_semaphore, #tpu.memory_space<semaphore_mem>>
      %dma_start3A_88 = arith.constant 0 : i32
      %dma_start3A_89 = tpu.memref_slice %arg5[%run_scoped3A, %dma_start3A_88] : memref<2x128xi32, #tpu.memory_space<vmem>> -> memref<1x128xi32, #tpu.memory_space<vmem>>
      %dma_start3A_90 = tpu.memref_squeeze %dma_start3A_89 : memref<1x128xi32, #tpu.memory_space<vmem>> -> memref<128xi32, #tpu.memory_space<vmem>>
      %dma_start3A_91 = arith.constant 0 : i32
      %dma_start3A_92 = arith.constant 0 : i32
      %dma_start3A_93 = tpu.memref_slice %arg10[%dma_start3A_91, %dma_start3A_92] : memref<10016x128xf32, #tpu.memory_space<vmem_shared>> -> memref<10016x128xf32, #tpu.memory_space<vmem_shared>>
      tpu.enqueue_indirect_dma source(%arg7 : memref<128x128xf32, #tpu.memory_space<vmem>>) target(%dma_start3A_93 : memref<10016x128xf32, #tpu.memory_space<vmem_shared>>) offsets(%dma_start3A_90 : memref<128xi32, #tpu.memory_space<vmem>>) semaphore(%run_scoped3A_87 : memref<!tpu.dma_semaphore, #tpu.memory_space<semaphore_mem>>) {add = true}
      %dma_wait3A_94 = arith.constant 0 : i32
      %dma_wait3A_95 = tpu.memref_slice %arg5[%run_scoped3A, %dma_wait3A_94] : memref<2x128xi32, #tpu.memory_space<vmem>> -> memref<1x128xi32, #tpu.memory_space<vmem>>
      %dma_wait3A_96 = tpu.memref_squeeze %dma_wait3A_95 : memref<1x128xi32, #tpu.memory_space<vmem>> -> memref<128xi32, #tpu.memory_space<vmem>>
      %dma_wait3A_97 = arith.constant 0 : i32
      %dma_wait3A_98 = arith.constant 0 : i32
      %dma_wait3A_99 = tpu.memref_slice %arg10[%dma_wait3A_97, %dma_wait3A_98] : memref<10016x128xf32, #tpu.memory_space<vmem_shared>> -> memref<10016x128xf32, #tpu.memory_space<vmem_shared>>
      tpu.wait_indirect_dma semaphore(%run_scoped3A_87 : memref<!tpu.dma_semaphore, #tpu.memory_space<semaphore_mem>>) src(%arg7 : memref<128x128xf32, #tpu.memory_space<vmem>>) dst(%dma_wait3A_99 : memref<10016x128xf32, #tpu.memory_space<vmem_shared>>)
      tpu.yield
    }) : () -> ()
    %dma_wait3A_71 = arith.constant 0 : i32
    %dma_wait3A_72 = arith.constant 0 : i32
    %dma_wait3A_73 = tpu.memref_slice %arg2[%dma_wait3A_71, %dma_wait3A_72] : memref<10000x128xf32, #tpu.memory_space<hbm>> -> memref<128x128xf32, #tpu.memory_space<hbm>>
    %dma_wait3A_74 = arith.constant 0 : i32
    %dma_wait3A_75 = arith.constant 0 : i32
    %dma_wait3A_76 = tpu.memref_slice %arg2[%dma_wait3A_74, %dma_wait3A_75] : memref<10000x128xf32, #tpu.memory_space<hbm>> -> memref<128x128xf32, #tpu.memory_space<hbm>>
    tpu.wait_dma2 semaphore(%arg14 : memref<!tpu.dma_semaphore, #tpu.memory_space<semaphore_mem>>) src(%dma_wait3A_76 : memref<128x128xf32, #tpu.memory_space<hbm>>) dst(%arg8 : memref<128x128xf32, #tpu.memory_space<vmem>>)
    %run_scoped3A_77 = arith.constant 1 : i32
    "tpu.region"() ({
      %run_scoped3A_87 = tpu.sem_alloc : memref<!tpu.dma_semaphore, #tpu.memory_space<semaphore_mem>>
      %dma_start3A_88 = arith.constant 0 : i32
      %dma_start3A_89 = tpu.memref_slice %arg6[%run_scoped3A_77, %dma_start3A_88] : memref<2x128xi32, #tpu.memory_space<vmem>> -> memref<1x128xi32, #tpu.memory_space<vmem>>
      %dma_start3A_90 = tpu.memref_squeeze %dma_start3A_89 : memref<1x128xi32, #tpu.memory_space<vmem>> -> memref<128xi32, #tpu.memory_space<vmem>>
      %dma_start3A_91 = arith.constant 0 : i32
      %dma_start3A_92 = arith.constant 0 : i32
      %dma_start3A_93 = tpu.memref_slice %arg10[%dma_start3A_91, %dma_start3A_92] : memref<10016x128xf32, #tpu.memory_space<vmem_shared>> -> memref<10016x128xf32, #tpu.memory_space<vmem_shared>>
      tpu.enqueue_indirect_dma source(%arg8 : memref<128x128xf32, #tpu.memory_space<vmem>>) target(%dma_start3A_93 : memref<10016x128xf32, #tpu.memory_space<vmem_shared>>) offsets(%dma_start3A_90 : memref<128xi32, #tpu.memory_space<vmem>>) semaphore(%run_scoped3A_87 : memref<!tpu.dma_semaphore, #tpu.memory_space<semaphore_mem>>) {add = true}
      %dma_wait3A_94 = arith.constant 0 : i32
      %dma_wait3A_95 = tpu.memref_slice %arg6[%run_scoped3A_77, %dma_wait3A_94] : memref<2x128xi32, #tpu.memory_space<vmem>> -> memref<1x128xi32, #tpu.memory_space<vmem>>
      %dma_wait3A_96 = tpu.memref_squeeze %dma_wait3A_95 : memref<1x128xi32, #tpu.memory_space<vmem>> -> memref<128xi32, #tpu.memory_space<vmem>>
      %dma_wait3A_97 = arith.constant 0 : i32
      %dma_wait3A_98 = arith.constant 0 : i32
      %dma_wait3A_99 = tpu.memref_slice %arg10[%dma_wait3A_97, %dma_wait3A_98] : memref<10016x128xf32, #tpu.memory_space<vmem_shared>> -> memref<10016x128xf32, #tpu.memory_space<vmem_shared>>
      tpu.wait_indirect_dma semaphore(%run_scoped3A_87 : memref<!tpu.dma_semaphore, #tpu.memory_space<semaphore_mem>>) src(%arg8 : memref<128x128xf32, #tpu.memory_space<vmem>>) dst(%dma_wait3A_99 : memref<10016x128xf32, #tpu.memory_space<vmem_shared>>)
      tpu.yield
    }) : () -> ()
    %barrier3A_78 = arith.constant 0 : index
    tpu.barrier barrier_id(%barrier3A_78)
    %mul3A_79 = arith.constant 624 : i32
    %mul3A_80 = arith.muli %arg1, %mul3A_79 : i32
    %lt3A = arith.constant 15 : i32
    %lt3A_81 = arith.cmpi slt, %arg1, %lt3A : i32
    %convert_element_type3A = arith.extui %lt3A_81 : i1 to i32
    %cond3A = arith.constant 0 : i32
    %cond3A_82 = arith.cmpi ne, %convert_element_type3A, %cond3A : i32
    scf.if %cond3A_82 {
      "tpu.region"() ({
        %run_scoped3A_87 = tpu.sem_alloc : memref<!tpu.dma_semaphore, #tpu.memory_space<semaphore_mem>>
        %dma_start3A_88 = arith.constant 0 : i32
        %dma_start3A_89 = tpu.memref_slice %arg4[%arg0, %mul3A_80, %dma_start3A_88] : memref<2x10000x128xf32, #tpu.memory_space<hbm>> -> memref<1x624x128xf32, #tpu.memory_space<hbm>>
        %dma_start3A_90 = tpu.memref_squeeze %dma_start3A_89 : memref<1x624x128xf32, #tpu.memory_space<hbm>> -> memref<624x128xf32, #tpu.memory_space<hbm>>
        %dma_start3A_91 = arith.constant 0 : i32
        %dma_start3A_92 = tpu.memref_slice %arg10[%mul3A_80, %dma_start3A_91] : memref<10016x128xf32, #tpu.memory_space<vmem_shared>> -> memref<624x128xf32, #tpu.memory_space<vmem_shared>>
        tpu.enqueue_dma source(%dma_start3A_92 : memref<624x128xf32, #tpu.memory_space<vmem_shared>>) target(%dma_start3A_90 : memref<624x128xf32, #tpu.memory_space<hbm>>) target_semaphore(%run_scoped3A_87 : memref<!tpu.dma_semaphore, #tpu.memory_space<semaphore_mem>>)
        %dma_wait3A_93 = arith.constant 0 : i32
        %dma_wait3A_94 = tpu.memref_slice %arg4[%arg0, %mul3A_80, %dma_wait3A_93] : memref<2x10000x128xf32, #tpu.memory_space<hbm>> -> memref<1x624x128xf32, #tpu.memory_space<hbm>>
        %dma_wait3A_95 = tpu.memref_squeeze %dma_wait3A_94 : memref<1x624x128xf32, #tpu.memory_space<hbm>> -> memref<624x128xf32, #tpu.memory_space<hbm>>
        %dma_wait3A_96 = arith.constant 0 : i32
        %dma_wait3A_97 = tpu.memref_slice %arg10[%mul3A_80, %dma_wait3A_96] : memref<10016x128xf32, #tpu.memory_space<vmem_shared>> -> memref<624x128xf32, #tpu.memory_space<vmem_shared>>
        tpu.wait_dma2 semaphore(%run_scoped3A_87 : memref<!tpu.dma_semaphore, #tpu.memory_space<semaphore_mem>>) src(%dma_wait3A_97 : memref<624x128xf32, #tpu.memory_space<vmem_shared>>) dst(%dma_wait3A_95 : memref<624x128xf32, #tpu.memory_space<hbm>>)
        tpu.yield
      }) : () -> ()
    } else {
    }
    %eq3A = arith.constant 15 : i32
    %eq3A_83 = arith.cmpi eq, %arg1, %eq3A : i32
    %convert_element_type3A_84 = arith.extui %eq3A_83 : i1 to i32
    %cond3A_85 = arith.constant 0 : i32
    %cond3A_86 = arith.cmpi ne, %convert_element_type3A_84, %cond3A_85 : i32
    scf.if %cond3A_86 {
      "tpu.region"() ({
        %run_scoped3A_87 = tpu.sem_alloc : memref<!tpu.dma_semaphore, #tpu.memory_space<semaphore_mem>>
        %dma_start3A_88 = arith.constant 9360 : i32
        %dma_start3A_89 = arith.constant 0 : i32
        %dma_start3A_90 = tpu.memref_slice %arg4[%arg0, %dma_start3A_88, %dma_start3A_89] : memref<2x10000x128xf32, #tpu.memory_space<hbm>> -> memref<1x640x128xf32, #tpu.memory_space<hbm>>
        %dma_start3A_91 = tpu.memref_squeeze %dma_start3A_90 : memref<1x640x128xf32, #tpu.memory_space<hbm>> -> memref<640x128xf32, #tpu.memory_space<hbm>>
        %dma_start3A_92 = arith.constant 9360 : i32
        %dma_start3A_93 = arith.constant 0 : i32
        %dma_start3A_94 = tpu.memref_slice %arg10[%dma_start3A_92, %dma_start3A_93] : memref<10016x128xf32, #tpu.memory_space<vmem_shared>> -> memref<640x128xf32, #tpu.memory_space<vmem_shared>>
        tpu.enqueue_dma source(%dma_start3A_94 : memref<640x128xf32, #tpu.memory_space<vmem_shared>>) target(%dma_start3A_91 : memref<640x128xf32, #tpu.memory_space<hbm>>) target_semaphore(%run_scoped3A_87 : memref<!tpu.dma_semaphore, #tpu.memory_space<semaphore_mem>>)
        %dma_wait3A_95 = arith.constant 9360 : i32
        %dma_wait3A_96 = arith.constant 0 : i32
        %dma_wait3A_97 = tpu.memref_slice %arg4[%arg0, %dma_wait3A_95, %dma_wait3A_96] : memref<2x10000x128xf32, #tpu.memory_space<hbm>> -> memref<1x640x128xf32, #tpu.memory_space<hbm>>
        %dma_wait3A_98 = tpu.memref_squeeze %dma_wait3A_97 : memref<1x640x128xf32, #tpu.memory_space<hbm>> -> memref<640x128xf32, #tpu.memory_space<hbm>>
        %dma_wait3A_99 = arith.constant 9360 : i32
        %dma_wait3A_100 = arith.constant 0 : i32
        %dma_wait3A_101 = tpu.memref_slice %arg10[%dma_wait3A_99, %dma_wait3A_100] : memref<10016x128xf32, #tpu.memory_space<vmem_shared>> -> memref<640x128xf32, #tpu.memory_space<vmem_shared>>
        tpu.wait_dma2 semaphore(%run_scoped3A_87 : memref<!tpu.dma_semaphore, #tpu.memory_space<semaphore_mem>>) src(%dma_wait3A_101 : memref<640x128xf32, #tpu.memory_space<vmem_shared>>) dst(%dma_wait3A_98 : memref<640x128xf32, #tpu.memory_space<hbm>>)
        tpu.yield
      }) : () -> ()
    } else {
    }
    return
  }
}

module attributes {stable_mosaic.version = 14 : i64} {
  func.func @body(%arg0: memref<10000x128xf32, #tpu.memory_space<vmem>>, %arg1: memref<10000x128xf32, #tpu.memory_space<vmem>>, %arg2: memref<10000x128xf32, #tpu.memory_space<vmem>>, %arg3: memref<128x128xf32, #tpu.memory_space<vmem>>, %arg4: memref<1x128xf32, #tpu.memory_space<vmem>>, %arg5: memref<128x128xf32, #tpu.memory_space<vmem>>, %arg6: memref<1x128xf32, #tpu.memory_space<vmem>>, %arg7: memref<10000x128xf32, #tpu.memory_space<vmem>>) attributes {dimension_semantics = [], scalar_prefetch = 0 : i64, scratch_operands = 0 : i64, tpu.core_type = #tpu.core_type<tc>} {
    %get3A = arith.constant 0 : index
    %get3A_0 = arith.constant 0 : index
    %get3A_1 = vector.load %arg0[%get3A, %get3A_0] : memref<10000x128xf32, #tpu.memory_space<vmem>>, vector<10000x128xf32>
    %get3A_2 = arith.constant 0 : index
    %get3A_3 = arith.constant 0 : index
    %get3A_4 = vector.load %arg1[%get3A_2, %get3A_3] : memref<10000x128xf32, #tpu.memory_space<vmem>>, vector<10000x128xf32>
    %add3A = arith.addf %get3A_1, %get3A_4 : vector<10000x128xf32>
    %get3A_5 = arith.constant 0 : index
    %get3A_6 = arith.constant 0 : index
    %get3A_7 = vector.load %arg3[%get3A_5, %get3A_6] : memref<128x128xf32, #tpu.memory_space<vmem>>, vector<128x128xf32>
    %dot_general3A = arith.constant dense<0.000000e+00> : vector<10000x128xf32>
    %dot_general3A_8 = tpu.matmul %add3A, %get3A_7, %dot_general3A {dimension_numbers = #tpu.dot_dimension_numbers<[1], [1], [0], [0], [0, 0, 1, 0], [], []>, transpose_lhs_hint = false} : vector<10000x128xf32>, vector<128x128xf32>, vector<10000x128xf32> -> vector<10000x128xf32>
    %get3A_9 = arith.constant 0 : index
    %get3A_10 = arith.constant 0 : index
    %get3A_11 = vector.load %arg0[%get3A_9, %get3A_10] : memref<10000x128xf32, #tpu.memory_space<vmem>>, vector<10000x128xf32>
    %get3A_12 = arith.constant 0 : index
    %get3A_13 = arith.constant 0 : index
    %get3A_14 = vector.load %arg2[%get3A_12, %get3A_13] : memref<10000x128xf32, #tpu.memory_space<vmem>>, vector<10000x128xf32>
    %add3A_15 = arith.addf %get3A_11, %get3A_14 : vector<10000x128xf32>
    %get3A_16 = arith.constant 0 : index
    %get3A_17 = arith.constant 0 : index
    %get3A_18 = vector.load %arg5[%get3A_16, %get3A_17] : memref<128x128xf32, #tpu.memory_space<vmem>>, vector<128x128xf32>
    %dot_general3A_19 = arith.constant dense<0.000000e+00> : vector<10000x128xf32>
    %dot_general3A_20 = tpu.matmul %add3A_15, %get3A_18, %dot_general3A_19 {dimension_numbers = #tpu.dot_dimension_numbers<[1], [1], [0], [0], [0, 0, 1, 0], [], []>, transpose_lhs_hint = false} : vector<10000x128xf32>, vector<128x128xf32>, vector<10000x128xf32> -> vector<10000x128xf32>
    %get3A_21 = arith.constant 0 : index
    %get3A_22 = arith.constant 0 : index
    %get3A_23 = vector.load %arg4[%get3A_21, %get3A_22] : memref<1x128xf32, #tpu.memory_space<vmem>>, vector<1x128xf32>
    %add3A_24 = vector.broadcast %get3A_23 : vector<1x128xf32> to vector<10000x128xf32>
    %add3A_25 = arith.addf %dot_general3A_8, %add3A_24 : vector<10000x128xf32>
    %add3A_26 = arith.addf %add3A_25, %dot_general3A_20 : vector<10000x128xf32>
    %get3A_27 = arith.constant 0 : index
    %get3A_28 = arith.constant 0 : index
    %get3A_29 = vector.load %arg6[%get3A_27, %get3A_28] : memref<1x128xf32, #tpu.memory_space<vmem>>, vector<1x128xf32>
    %add3A_30 = vector.broadcast %get3A_29 : vector<1x128xf32> to vector<10000x128xf32>
    %add3A_31 = arith.addf %add3A_26, %add3A_30 : vector<10000x128xf32>
    %max3A = arith.constant 0.000000e+00 : f32
    %max3A_32 = vector.broadcast %max3A : f32 to vector<10000x128xf32>
    %max3A_33 = arith.maximumf %add3A_31, %max3A_32 : vector<10000x128xf32>
    %swap3A = arith.constant 0 : index
    %swap3A_34 = arith.constant 0 : index
    %swap3A_35 = vector.load %arg7[%swap3A, %swap3A_34] : memref<10000x128xf32, #tpu.memory_space<vmem>>, vector<10000x128xf32>
    tpu.vector_store %arg7[%swap3A, %swap3A_34], %max3A_33 {strides = array<i32>} : memref<10000x128xf32, #tpu.memory_space<vmem>>, vector<10000x128xf32>,
    return
  }
}

module attributes {stable_mosaic.version = 14 : i64} {
  func.func @body(%arg0: memref<10000x128xf32, #tpu.memory_space<vmem>>, %arg1: memref<10000x128xf32, #tpu.memory_space<vmem>>, %arg2: memref<10000x128xf32, #tpu.memory_space<vmem>>, %arg3: memref<128x128xf32, #tpu.memory_space<vmem>>, %arg4: memref<1x128xf32, #tpu.memory_space<vmem>>, %arg5: memref<128x128xf32, #tpu.memory_space<vmem>>, %arg6: memref<1x128xf32, #tpu.memory_space<vmem>>, %arg7: memref<1x10000xi32, #tpu.memory_space<vmem>>, %arg8: memref<128x128xf32, #tpu.memory_space<vmem>>, %arg9: memref<1x128xf32, #tpu.memory_space<vmem>>, %arg10: memref<64x128xf32, #tpu.memory_space<vmem>>, %arg11: memref<1x64xf32, #tpu.memory_space<vmem>>, %arg12: memref<64x64xf32, #tpu.memory_space<vmem>>) attributes {dimension_semantics = [], scalar_prefetch = 0 : i64, scratch_operands = 0 : i64, tpu.core_type = #tpu.core_type<tc>} {
    %get3A = arith.constant 0 : index
    %get3A_0 = arith.constant 0 : index
    %get3A_1 = vector.load %arg0[%get3A, %get3A_0] : memref<10000x128xf32, #tpu.memory_space<vmem>>, vector<10000x128xf32>
    %get3A_2 = arith.constant 0 : index
    %get3A_3 = arith.constant 0 : index
    %get3A_4 = vector.load %arg1[%get3A_2, %get3A_3] : memref<10000x128xf32, #tpu.memory_space<vmem>>, vector<10000x128xf32>
    %add3A = arith.addf %get3A_1, %get3A_4 : vector<10000x128xf32>
    %get3A_5 = arith.constant 0 : index
    %get3A_6 = arith.constant 0 : index
    %get3A_7 = vector.load %arg3[%get3A_5, %get3A_6] : memref<128x128xf32, #tpu.memory_space<vmem>>, vector<128x128xf32>
    %dot_general3A = arith.constant dense<0.000000e+00> : vector<10000x128xf32>
    %dot_general3A_8 = tpu.matmul %add3A, %get3A_7, %dot_general3A {dimension_numbers = #tpu.dot_dimension_numbers<[1], [1], [0], [0], [0, 0, 1, 0], [], []>, transpose_lhs_hint = false} : vector<10000x128xf32>, vector<128x128xf32>, vector<10000x128xf32> -> vector<10000x128xf32>
    %get3A_9 = arith.constant 0 : index
    %get3A_10 = arith.constant 0 : index
    %get3A_11 = vector.load %arg0[%get3A_9, %get3A_10] : memref<10000x128xf32, #tpu.memory_space<vmem>>, vector<10000x128xf32>
    %get3A_12 = arith.constant 0 : index
    %get3A_13 = arith.constant 0 : index
    %get3A_14 = vector.load %arg2[%get3A_12, %get3A_13] : memref<10000x128xf32, #tpu.memory_space<vmem>>, vector<10000x128xf32>
    %add3A_15 = arith.addf %get3A_11, %get3A_14 : vector<10000x128xf32>
    %get3A_16 = arith.constant 0 : index
    %get3A_17 = arith.constant 0 : index
    %get3A_18 = vector.load %arg5[%get3A_16, %get3A_17] : memref<128x128xf32, #tpu.memory_space<vmem>>, vector<128x128xf32>
    %dot_general3A_19 = arith.constant dense<0.000000e+00> : vector<10000x128xf32>
    %dot_general3A_20 = tpu.matmul %add3A_15, %get3A_18, %dot_general3A_19 {dimension_numbers = #tpu.dot_dimension_numbers<[1], [1], [0], [0], [0, 0, 1, 0], [], []>, transpose_lhs_hint = false} : vector<10000x128xf32>, vector<128x128xf32>, vector<10000x128xf32> -> vector<10000x128xf32>
    %get3A_21 = arith.constant 0 : index
    %get3A_22 = arith.constant 0 : index
    %get3A_23 = vector.load %arg4[%get3A_21, %get3A_22] : memref<1x128xf32, #tpu.memory_space<vmem>>, vector<1x128xf32>
    %add3A_24 = vector.broadcast %get3A_23 : vector<1x128xf32> to vector<10000x128xf32>
    %add3A_25 = arith.addf %dot_general3A_8, %add3A_24 : vector<10000x128xf32>
    %add3A_26 = arith.addf %add3A_25, %dot_general3A_20 : vector<10000x128xf32>
    %get3A_27 = arith.constant 0 : index
    %get3A_28 = arith.constant 0 : index
    %get3A_29 = vector.load %arg6[%get3A_27, %get3A_28] : memref<1x128xf32, #tpu.memory_space<vmem>>, vector<1x128xf32>
    %add3A_30 = vector.broadcast %get3A_29 : vector<1x128xf32> to vector<10000x128xf32>
    %add3A_31 = arith.addf %add3A_26, %add3A_30 : vector<10000x128xf32>
    %max3A = arith.constant 0.000000e+00 : f32
    %max3A_32 = vector.broadcast %max3A : f32 to vector<10000x128xf32>
    %max3A_33 = arith.maximumf %add3A_31, %max3A_32 : vector<10000x128xf32>
    %iota3A = tpu.iota {dimensions = array<i32: 0>} : vector<64x10000xi32>
    %get3A_34 = arith.constant 0 : index
    %get3A_35 = arith.constant 0 : index
    %get3A_36 = vector.load %arg7[%get3A_34, %get3A_35] : memref<1x10000xi32, #tpu.memory_space<vmem>>, vector<1x10000xi32>
    %eq3A = vector.broadcast %get3A_36 : vector<1x10000xi32> to vector<64x10000xi32>
    %eq3A_37 = arith.cmpi eq, %iota3A, %eq3A : vector<64x10000xi32>
    %jit3A = arith.constant 1.000000e+00 : f32
    %jit3A_38 = arith.constant 0.000000e+00 : f32
    %broadcast_in_dim3A = vector.broadcast %jit3A : f32 to vector<64x10000xf32>
    %broadcast_in_dim3A_39 = vector.broadcast %jit3A_38 : f32 to vector<64x10000xf32>
    %select_n3A = arith.select %eq3A_37, %broadcast_in_dim3A, %broadcast_in_dim3A_39 : vector<64x10000xi1>, vector<64x10000xf32>
    %dot_general3A_40 = arith.constant dense<0.000000e+00> : vector<64x128xf32>
    %dot_general3A_41 = tpu.matmul %select_n3A, %max3A_33, %dot_general3A_40 {dimension_numbers = #tpu.dot_dimension_numbers<[1], [0], [0], [1], [0, 0, 1, 1], [], []>, transpose_lhs_hint = false} : vector<64x10000xf32>, vector<10000x128xf32>, vector<64x128xf32> -> vector<64x128xf32>
    %reduce_sum3A = arith.constant dense<0.000000e+00> : vector<64xf32>
    %reduce_sum3A_42 = vector.multi_reduction <add>, %select_n3A, %reduce_sum3A [1] : vector<64x10000xf32> to vector<64xf32>
    %broadcast_in_dim3A_43 = vector.shape_cast %reduce_sum3A_42 : vector<64xf32> to vector<64x1xf32>
    %max3A_44 = arith.constant 1.000000e+00 : f32
    %max3A_45 = vector.broadcast %max3A_44 : f32 to vector<64x1xf32>
    %max3A_46 = arith.maximumf %broadcast_in_dim3A_43, %max3A_45 : vector<64x1xf32>
    %div3A = vector.broadcast %max3A_46 : vector<64x1xf32> to vector<64x128xf32>
    %div3A_47 = arith.divf %dot_general3A_41, %div3A : vector<64x128xf32>
    %get3A_48 = arith.constant 0 : index
    %get3A_49 = arith.constant 0 : index
    %get3A_50 = vector.load %arg8[%get3A_48, %get3A_49] : memref<128x128xf32, #tpu.memory_space<vmem>>, vector<128x128xf32>
    %dot_general3A_51 = arith.constant dense<0.000000e+00> : vector<64x128xf32>
    %dot_general3A_52 = tpu.matmul %div3A_47, %get3A_50, %dot_general3A_51 {dimension_numbers = #tpu.dot_dimension_numbers<[1], [1], [0], [0], [0, 0, 1, 0], [], []>, transpose_lhs_hint = false} : vector<64x128xf32>, vector<128x128xf32>, vector<64x128xf32> -> vector<64x128xf32>
    %get3A_53 = arith.constant 0 : index
    %get3A_54 = arith.constant 0 : index
    %get3A_55 = vector.load %arg9[%get3A_53, %get3A_54] : memref<1x128xf32, #tpu.memory_space<vmem>>, vector<1x128xf32>
    %add3A_56 = vector.broadcast %get3A_55 : vector<1x128xf32> to vector<64x128xf32>
    %add3A_57 = arith.addf %dot_general3A_52, %add3A_56 : vector<64x128xf32>
    %max3A_58 = arith.constant 0.000000e+00 : f32
    %max3A_59 = vector.broadcast %max3A_58 : f32 to vector<64x128xf32>
    %max3A_60 = arith.maximumf %add3A_57, %max3A_59 : vector<64x128xf32>
    %get3A_61 = arith.constant 0 : index
    %get3A_62 = arith.constant 0 : index
    %get3A_63 = vector.load %arg10[%get3A_61, %get3A_62] : memref<64x128xf32, #tpu.memory_space<vmem>>, vector<64x128xf32>
    %dot_general3A_64 = arith.constant dense<0.000000e+00> : vector<64x64xf32>
    %dot_general3A_65 = tpu.matmul %max3A_60, %get3A_63, %dot_general3A_64 {dimension_numbers = #tpu.dot_dimension_numbers<[1], [1], [0], [0], [0, 0, 1, 0], [], []>, transpose_lhs_hint = false} : vector<64x128xf32>, vector<64x128xf32>, vector<64x64xf32> -> vector<64x64xf32>
    %get3A_66 = arith.constant 0 : index
    %get3A_67 = arith.constant 0 : index
    %get3A_68 = vector.load %arg11[%get3A_66, %get3A_67] : memref<1x64xf32, #tpu.memory_space<vmem>>, vector<1x64xf32>
    %add3A_69 = vector.broadcast %get3A_68 : vector<1x64xf32> to vector<64x64xf32>
    %add3A_70 = arith.addf %dot_general3A_65, %add3A_69 : vector<64x64xf32>
    %swap3A = arith.constant 0 : index
    %swap3A_71 = arith.constant 0 : index
    %swap3A_72 = vector.load %arg12[%swap3A, %swap3A_71] : memref<64x64xf32, #tpu.memory_space<vmem>>, vector<64x64xf32>
    tpu.vector_store %arg12[%swap3A, %swap3A_71], %add3A_70 {strides = array<i32>} : memref<64x64xf32, #tpu.memory_space<vmem>>, vector<64x64xf32>,
    return
  }
}

</mosaic_0001>

<sc_bundles>
// kernel: kernel.6.cloned.1.call-start
scs
__scs_entry_jumppad:
0x0: {  	(pc) =	sbr.rel $0x88, $3  }
0x1: {  	(tag) =	ssettag $0x0;
	lr =	simm.s32 $0x1  }
0x2: {  	[smem:$0x3F91] =	sst lr;
	_ =	strace $0xD0000000  }
0x3: {  	_ = 	snop  }
0x4: {  	_ = 	snop  }
0x5: {  	_ = 	snop  }
0x6: {  	_ = 	snop  }
0x7: {  	_ = 	snop  }
__scs_overlays_trampoline_lowered:
0x8: {  	[smem:$0x3FA0] =	sst s0  }
0x9: {  	[smem:$0x3FA1] =	sst s1  }
0xa: {  	[smem:$0x3FA2] =	sst s2  }
0xb: {  	[smem:$0x3FA3] =	sst s3  }
0xc: {  	[smem:$0x3FA4] =	sst s4  }
0xd: {  	[smem:$0x3FA5] =	sst s5  }
0xe: {  	[smem:$0x3FA6] =	sst s6  }
0xf: {  	[smem:$0x3FA7] =	sst s7  }
0x10: {  	[smem:$0x3FA8] =	sst s8  }
0x11: {  	[smem:$0x3FA9] =	sst s9;
	s0 =	simm.s32 @!p0 $0x0  }
0x12: {  	s1 =	sld [smem:$0x3F8F];
	s0 =	simm.s32 @p0 $0x1  }
0x13: {  	[smem:$0x3FAA] =	sst s0;
	s0 =	simm.s32 @!p1 $0x0  }
0x14: {  	s2 =	sld [smem:$0x3F8E];
	s0 =	simm.s32 @p1 $0x1  }
0x15: {  	[smem:$0x3FAB] =	sst s0;
	s0 =	simm.s32 @!p2 $0x0  }
0x16: {  	s3 =	sld [smem:$0x3FDB];
	s0 =	simm.s32 @p2 $0x1  }
0x17: {  	s4 =	simm.s32 $0x1BF5;
	[smem:$0x3FAD] =	sst s0  }
0x18: {  	s0 =	sld [smem:$0x3F90];
	_ =	swait.ge [sflag:s4], $0x0  }
0x19: {  	s7 =	sld [smem:$0x3F91]  }
0x1a: {  	s8 =	sadd.s32 $0xFFFFE003, lr  }
0x1b: {  	s9 =	sadd.s32 $0xFFFFFEF7, lr;
	s5 =	simm.s32 $0xFFFFFFFF;
	p2 =	slt.u32 s8, $0xFFFFF086  }
0x1c: {  	p1 =	slt.u32 s9, $0xF7A;
	s5 =	simm.s32 @!p2 $0x0  }
0x1d: {  	s5 =	simm.s32 @p1 $0x1;
	p0 =	seq.s32 s7, s2  }
0x1e: {  	s7 =	smul.u32 @!p0 $0xF7A, s2;
	p2 =	seq.s32 @!p0 s5, $0x0  }
0x1f: {  	s9 =	smul.u32 $0xF7A, s1;
	s8 =	simm.s32 @!p0 $0x1BF5;
	p2 =	por !p2, p0  }
0x20: {  	[sflag:s8] =	ssyncset.s32 @!p0 $0xFFFFF086;
	s6 =	sadd.s32 @!p0 s3, s7;
	s7 =	simm.s32 @!p0 $0x108  }
0x21: {  	s3 =	sadd.s32 s3, s9;
	s6 =	sadd.s32 @!p0 $0x88, s6;
	s7 =	simm.s32 @p2 $0x1082  }
0x22: {  	[simem:s7], [sflag:s8] =	dma.local @!p0 [hbm:s6], $0xF7A  }
0x23: {  	s9 =	sor.u32 $0xD0000000, s2;
	s6 =	simm.s32 $0x108;
	_ =	swait.ge @!p0 [sflag:s8], $0x0  }
0x24: {  	s3 =	sadd.s32 $0x88, s3;
	s6 =	simm.s32 @!p1 $0x1082;
	[sflag:s4] =	ssyncset.s32 $0xFFFFF086  }
0x25: {  	[simem:s6], [sflag:s4] =	dma.local [hbm:s3], $0xF7A  }
0x26: {  	[smem:$0x3F91] =	sst s1;
	(tag) =	ssettag s2;
	_ =	strace s9  }
0x27: {  	s1 =	sld [smem:$0x3FA1]  }
0x28: {  	s2 =	sld [smem:$0x3FA2]  }
0x29: {  	s4 =	sld [smem:$0x3FA4]  }
0x2a: {  	p0 =	seq.s32 s5, $0x0;
	s5 =	sld [smem:$0x3FA5]  }
0x2b: {  	s6 =	sld [smem:$0x3FA6]  }
0x2c: {  	s7 =	sld [smem:$0x3FA7]  }
0x2d: {  	s3 =	simm.s32 $0x108;
	s8 =	sld [smem:$0x3FA8]  }
0x2e: {  	s3 =	simm.s32 @!p0 $0x1082;
	s9 =	sld [smem:$0x3FA9]  }
0x2f: {  	lr =	sadd.s32 s0, s3;
	s0 =	sld [smem:$0x3FA0]  }
0x30: {  	s3 =	sld [smem:$0x3FA3]  }
0x31: {  	[smem:$0x3FAC] =	sst s10  }
0x32: {  	s10 =	sld [smem:$0x3FAA];
	_ =	sdelay $0x3  }
0x33: {  	p0 =	seq.s32 s10, $0x1;
	s10 =	sld [smem:$0x3FAC];
	_ =	sdelay $0x3  }
0x34: {  	[smem:$0x3FAC] =	sst s10  }
0x35: {  	s10 =	sld [smem:$0x3FAB];
	_ =	sdelay $0x3  }
0x36: {  	p1 =	seq.s32 s10, $0x1;
	s10 =	sld [smem:$0x3FAC];
	_ =	sdelay $0x3  }
0x37: {  	[smem:$0x3FAC] =	sst s10  }
0x38: {  	s10 =	sld [smem:$0x3FAD]  }
0x39: {  	_ = 	snop;
	(pc) =	sbr.ind lr, $3  }
0x3a: {  	_ = 	snop  }
0x3b: {  	_ = 	snop  }
0x3c: {  	p2 =	seq.s32 s10, $0x1;
	s10 =	sld [smem:$0x3FAC]  }
0x3d: {  	_ =	shalt  }
0x3e: {  	_ =	shalt  }
0x3f: {  	_ =	shalt  }
0x40: {  	_ =	shalt  }
0x41: {  	_ =	shalt  }
0x42: {  	_ =	shalt  }
0x43: {  	_ =	shalt  }
0x44: {  	_ =	shalt  }
0x45: {  	_ =	shalt  }
0x46: {  	_ =	shalt  }
0x47: {  	_ =	shalt  }
0x48: {  	_ =	shalt  }
0x49: {  	_ =	shalt  }
0x4a: {  	_ =	shalt  }
0x4b: {  	_ =	shalt  }
0x4c: {  	_ =	shalt  }
0x4d: {  	_ =	shalt  }
0x4e: {  	_ =	shalt  }
0x4f: {  	_ =	shalt  }
0x50: {  	_ =	shalt  }
0x51: {  	_ =	shalt  }
0x52: {  	_ =	shalt  }
0x53: {  	_ =	shalt  }
0x54: {  	_ =	shalt  }
0x55: {  	_ =	shalt  }
0x56: {  	_ =	shalt  }
0x57: {  	_ =	shalt  }
0x58: {  	_ =	shalt  }
0x59: {  	_ =	shalt  }
0x5a: {  	_ =	shalt  }
0x5b: {  	_ =	shalt  }
0x5c: {  	_ =	shalt  }
0x5d: {  	_ =	shalt  }
0x5e: {  	_ =	shalt  }
0x5f: {  	_ =	shalt  }
0x60: {  	_ =	shalt  }
0x61: {  	_ =	shalt  }
0x62: {  	_ =	shalt  }
0x63: {  	_ =	shalt  }
0x64: {  	_ =	shalt  }
0x65: {  	_ =	shalt  }
0x66: {  	_ =	shalt  }
0x67: {  	_ =	shalt  }
0x68: {  	_ =	shalt  }
0x69: {  	_ =	shalt  }
0x6a: {  	_ =	shalt  }
0x6b: {  	_ =	shalt  }
0x6c: {  	_ =	shalt  }
0x6d: {  	_ =	shalt  }
0x6e: {  	_ =	shalt  }
0x6f: {  	_ =	shalt  }
0x70: {  	_ =	shalt  }
0x71: {  	_ =	shalt  }
0x72: {  	_ =	shalt  }
0x73: {  	_ =	shalt  }
0x74: {  	_ =	shalt  }
0x75: {  	_ =	shalt  }
0x76: {  	_ =	shalt  }
0x77: {  	_ =	shalt  }
0x78: {  	_ =	shalt  }
0x79: {  	_ =	shalt  }
0x7a: {  	_ =	shalt  }
0x7b: {  	_ =	shalt  }
0x7c: {  	_ =	shalt  }
0x7d: {  	_ =	shalt  }
0x7e: {  	_ =	shalt  }
0x7f: {  	_ =	shalt  }
0x80: {  	_ =	shalt  }
0x81: {  	_ =	shalt  }
0x82: {  	_ =	shalt  }
0x83: {  	_ =	shalt  }
0x84: {  	_ =	shalt  }
0x85: {  	_ =	shalt  }
0x86: {  	_ =	shalt  }
0x87: {  	_ =	shalt  }
.Lfunc_end0:
.L_simem_size_0:
called_computation_lowered:
.L_overlay_start_0:
0x88: {  	s2 =	sld [smem:$0x3FD9]  }
0x89: {  	s3 =	sld [smem:$0x3FFE];
	_ =	sdelay $0x1  }
0x8a: {  	s1 =	srdreg.scid  }
0x8b: {  	s0 =	sand.u32 $0x1, s1  }
0x8c: {  	s17 =	sshll.u32 s0, $0xA;
	s2 =	sadd.s32 s3, s2  }
0x8d: {  	s2 =	sadd.s32 s2, s17  }
0x8e: {  	[smem:$0x3FB8] =	sst s2  }
0x8f: {  	_ = 	snop  }
0x90: {  	s2 =	sld [smem:$0x3FC9];
	(tm) =	ssettm $0x1  }
0x91: {  	s18 =	sld [smem:$0x3FFB];
	_ =	sdelay $0x3  }
0x92: {  	_ =	strace s18  }
0x93: {  	s3 =	sld [smem:$0x3FFC];
	_ =	sdelay $0x3  }
0x94: {  	_ =	strace s3  }
0x95: {  	s3 =	sld [smem:$0x3FFD];
	_ =	sdelay $0x3  }
0x96: {  	_ =	strace s3  }
0x97: {  	_ =	strace $0x8FFFFFFF  }
0x98: {  	s19 =	sld [smem:$0x3FDB];
	_ =	sdelay $0x1  }
0x99: {  	s4 =	simm.s32 $_scs_section_size  }
0x9a: {  	s5 =	simm.s32 $_size__tile_overlayer_lowered;
	s6 =	simm.s32 $_tile_overlayer_lowered  }
0x9b: {  	s22 =	simm.s32 $0x1BFF;
	s21 =	sshll.u32 s6, $0x1;
	s3 =	sadd.s32 s4, s19  }
0x9c: {  	s7 =	simm.s32 $0x0;
	s20 =	sshll.u32 s5, $0x1;
	s5 =	sadd.s32 s21, s3  }
0x9d: {  	[timem:s7], [sflag:s22] =	dma.local [hbm:s5], s20  }
0x9e: {  	_ =	swait.ge [sflag:s22], s20  }
0x9f: {  	s4 =	ssub.s32 $0x0, s20;
	[sflag:s22] =	ssyncset.done $0x0  }
0xa0: {  	[sflag:s22] =	ssyncadd.s32 s4;
	_ =	sdelay $0x1  }
0xa1: {  	s23 =	simm.s32 $0x1B8B  }
0xa2: {  	_ =	swait.ge [sflag:s23], $0x1  }
0xa3: {  	[sflag:s23] =	ssyncset.done $0x0  }
0xa4: {  	s25 =	simm.s32 $0x1B8E;
	s24 =	sld [smem:$0x3FFE];
	[sflag:s23] =	ssyncadd.s32 $0xFFFFFFFF  }
0xa5: {  	s26 =	simm.s32 $execute0_lowered;
	[smem:$0x3FD2] =	sst s25  }
0xa6: {  	s5 =	sshll.u32 s26, $0x1;
	_ =	strace $0x80000046;
	[dreg:$0x1] =	wrdreg $0xFFFFFFFF  }
0xa7: {  	s28 =	simm.s32 $_size_execute0_lowered;
	s3 =	sadd.s32 s3, s5;
	[dreg:$0x0] =	wrdreg $0x0  }
0xa8: {  	s5 =	sshll.u32 s28, $0x1;
	[dreg:$0x2] =	wrdreg s3  }
0xa9: {  	[dreg:$0x3] =	wrdreg s5  }
0xaa: {  	[dreg:$0x4] =	wrdreg $0xC0  }
0xab: {  	_ =	task [dreg:s7], $0x5FFFF  }
0xac: {  	[dreg:$0x1] =	wrdreg $0xFFFFFFFF  }
0xad: {  	[dreg:$0x0] =	wrdreg $0x60  }
0xae: {  	[dreg:$0x2] =	wrdreg s2  }
0xaf: {  	[dreg:$0x3] =	wrdreg s24  }
0xb0: {  	[dreg:$0x4] =	wrdreg $0xC2000  }
0xb1: {  	[dreg:$0x5] =	wrdreg $0x9  }
0xb2: {  	_ =	task.clear_ibuf [dreg:s7], $0x6FFFF;
	_ =	strace $0x90000046  }
0xb3: {  	s29 =	simm.s32 $0x9;
	_ =	strace $0x80000048  }
0xb4: {  	_ =	swait.ge [sflag:s29], $0x1  }
0xb5: {  	[sflag:s29] =	ssyncadd.s32 $0xFFFFFFFF  }
0xb6: {  	_ =	strace $0x90000048  }
0xb7: {  	_ =	sfence  }
0xb8: {  	s30 =	sld [smem:$0x0];
	_ =	sdelay $0x2  }
0xb9: {  	s31 =	sshll.u32 s1, $0xD;
	s1 =	sshrl.u32 s1, $0x2  }
0xba: {  	s3 =	sand.u32 $0x4000, s31;
	s1 =	sadd.s32 s1, s30  }
0xbb: {  	s0 =	sor.u32 s3, s0;
	s1 =	sshll.u32 s1, $0x11  }
0xbc: {  	s0 =	sor.u32 s1, s0  }
0xbd: {  	s0 =	sadd.s32 $0x8F2B, s0  }
0xbe: {  	[sflag:s0] =	ssyncadd.remote.s32 $0x1  }
0xbf: {  	_ =	sfence.sel $0xFFFF  }
0xc0: {  	[dreg:$0x0] =	wrdreg $0xFFFFFFFF;
	(pc) =	sbr.abs _section_cstart, $3  }
0xc1: {  	[dreg:$0x1] =	wrdreg $0xFFFFFFFF  }
0xc2: {  	_ =	task.clear_ibuf [dreg:s7], $0x2FFFF;
	_ =	strace $0x9FFFFFFF  }
0xc3: {  	(tm) =	ssettm $0x7FFFFFFF  }
tec
execute0_lowered:
.L_overlay_start_1:
0x0: {  	(tag) =	ssettag $0x1  }
0x1: {  	s1 =	rddreg [dreg:$0x0]  }
0x2: {  	s0 =	rddreg [dreg:$0x1]  }
0x3: {  	s2 =	rddreg [dreg:$0x2];
	s4 =	simm.s32 $0x0;
	s3 =	srdreg.scid  }
0x4: {  	s23 =	stileid.u32;
	s18 =	simm.s32 $0x100;
	s28 =	simm.s32 $0x4200  }
0x5: {  	s29 =	simm.s32 $0x3;
	s30 =	simm.s32 $0x4;
	s7 =	smul.u32 $0x9E00, s23  }
0x6: {  	s31 =	simm.s32 $0x180;
	[smem:$0x7FF] =	sst s4;
	s9 =	smul.u32 $0x4E400, s23  }
0x7: {  	s3 =	sand.u32 $0x1, s3;
	s5 =	sadd.s32 $0x2800, s0;
	s20 =	smul.u32 $0x13800, s23  }
0x8: {  	s0 =	sadd.s32 $0x2A000, s0;
	s14 =	smul.u32 $0x4E000, s23;
	p0 =	seq.s32 s23, $0xF  }
0x9: {  	s23 =	simm.s32 $0x200;
	s6 =	smul.u32 $0x9E000, s3;
	s8 =	ssub.s32 $0x2, s3  }
0xa: {  	_ =	strace $0x80000047;
	s3 =	smul.u32 $0x138800, s3;
	s10 =	sshrl.u32 s8, $0x1  }
0xb: {  	s19 =	sshrl.u32 s9, $0x2;
	s25 =	sshrl.u32 s14, $0x2;
	s17 =	sadd.s32 s7, s6  }
0xc: {  	s7 =	sadd.s32 s19, s2;
	s8 =	ssub.s32 s8, s10;
	s9 =	sadd.s32 s20, s3  }
0xd: {  	s3 =	sshrl.u32 s3, $0x3;
	s19 =	simm.s32 $0x8200;
	s20 =	simm.s32 $0x5  }
0xe: {  	s6 =	sshrl.u32 s17, $0x3;
	s22 =	sadd.s32 $0x4000, s7;
	s24 =	sadd.s32 $0x8000, s7  }
0xf: {  	s11 =	sadd.s32 $0xC000, s7;
	s12 =	sadd.s32 $0x10000, s7;
	s9 =	sshrl.u32 s9, $0x3  }
0x10: {  	s26 =	sadd.s32 $0x300, s17;
	s15 =	smax.u32 s8, $0x1;
	[dreg:$0x5] =	wrdreg s22  }
0x11: {  	s17 =	sadd.s32 $0x200, s17;
	s6 =	sadd.s32 s5, s6;
	[dreg:$0x6] =	wrdreg s24  }
0x12: {  	s13 =	sadd.s32 s0, s9;
	s9 =	sadd.s32 s25, s2;
	s0 =	sadd.s32 s0, s3  }
0x13: {  	s3 =	sshrl.u32 s26, $0x3;
	s22 =	simm.s32 $0x80;
	s26 =	simm.s32 $0x2  }
0x14: {  	s21 =	sadd.s32 $0x20, s6;
	s14 =	sadd.s32 $0x24900, s0;
	s0 =	sadd.s32 $0x124800, s2  }
0x15: {  	s16 =	sadd.s32 s3, s5;
	s25 =	sshrl.u32 @!p0 s9, $0x3;
	[dreg:$0x4] =	wrdreg s21  }
0x16: {  	v0 =	vimm.f32 $0.0e+00;
	s21 =	simm.s32 $0x1;
	s24 =	sshrl.u32 @p0 s0, $0x3;
	s0 =	simm.s32 $0x0  }
.LBB2_1:
0x17: {  	[tilespmem:s4], [sflag:$0x1] =	stream.linear.gather [hbm4b:s6+s4], $0x100, $0x38;
	[tilespmem:$0x1FB00] =	vst v63  }
0x18: {  	s3 =	rddreg [dreg:$0x4]  }
0x19: {  	[tilespmem:s18], [sflag:$0x2] =	stream.linear.gather [hbm4b:s3+s4], $0x100, $0x38;
	[tilespmem:$0x1FB00] =	vst v63  }
0x1a: {  	s8 =	simm.s32 $0x200;
	s3 =	simm.s32 $0x0  }
.LBB2_2:
0x1b: {  	p1 =	sne.s32 s8, $0xFE00;
	[tilespmem:s3+$0x8270] =	vst v0  }
0x1c: {  	[tilespmem:s3+$0x8200] =	vst v0  }
0x1d: {  	[tilespmem:s3+$0x8210] =	vst v0  }
.Ltmp0:
0x1e: {  	[tilespmem:s3+$0x8220] =	vst v0;
	(pc) =	sbr.rel @p1 .LBB2_2-.Ltmp0, $4  }
0x1f: {  	[tilespmem:s3+$0x8230] =	vst v0  }
0x20: {  	[tilespmem:s3+$0x8240] =	vst v0  }
0x21: {  	[tilespmem:s3+$0x8250] =	vst v0  }
0x22: {  	[tilespmem:s3+$0x8260] =	vst v0;
	s3 =	sshra.s32 s8, $0x2;
	s8 =	sadd.s32 $0x200, s8  }
0x23: {  	[tilespmem:s3+$0x8270] =	vst v0  }
0x24: {  	[tilespmem:s3+$0x8200] =	vst v0  }
0x25: {  	[tilespmem:s3+$0x8210] =	vst v0  }
0x26: {  	[tilespmem:s3+$0x8220] =	vst v0  }
0x27: {  	[tilespmem:s3+$0x8230] =	vst v0  }
0x28: {  	[tilespmem:s3+$0x8240] =	vst v0  }
0x29: {  	[tilespmem:s3+$0x8250] =	vst v0  }
0x2a: {  	[tilespmem:s3+$0x8260] =	vst v0  }
0x2b: {  	[spmem:s7] =	stream.linear.scatter [tilespmem:s19], [sflag:$0x5], $0x4000, $0x38;
	[tilespmem:$0x1FB00] =	vst v63  }
0x2c: {  	_ =	swait.ge [sflag:s20], $0x4000  }
0x2d: {  	[sflag:s20] =	ssyncset.done $0x0  }
0x2e: {  	s10 =	rddreg [dreg:$0x5];
	[sflag:s20] =	ssyncadd.s32 $0xFFFFC000  }
0x2f: {  	[spmem:s10] =	stream.linear.scatter [tilespmem:s19], [sflag:$0x5], $0x4000, $0x38;
	[tilespmem:$0x1FB00] =	vst v63  }
0x30: {  	_ =	swait.ge [sflag:s20], $0x4000  }
0x31: {  	[sflag:s20] =	ssyncset.done $0x0  }
0x32: {  	s8 =	rddreg [dreg:$0x6];
	[sflag:s20] =	ssyncadd.s32 $0xFFFFC000  }
0x33: {  	[spmem:s8] =	stream.linear.scatter [tilespmem:s19], [sflag:$0x5], $0x4000, $0x38;
	[tilespmem:$0x1FB00] =	vst v63  }
0x34: {  	_ =	swait.ge [sflag:s20], $0x4000  }
0x35: {  	[sflag:s20] =	ssyncset.done $0x0  }
0x36: {  	[sflag:s20] =	ssyncadd.s32 $0xFFFFC000  }
0x37: {  	[spmem:s11] =	stream.linear.scatter [tilespmem:s19], [sflag:$0x5], $0x4000, $0x38;
	[tilespmem:$0x1FB00] =	vst v63  }
0x38: {  	_ =	swait.ge [sflag:s20], $0x4000  }
0x39: {  	[sflag:s20] =	ssyncset.done $0x0  }
0x3a: {  	[sflag:s20] =	ssyncadd.s32 $0xFFFFC000  }
0x3b: {  	[spmem:s12] =	stream.linear.scatter [tilespmem:s19], [sflag:$0x5], $0x3900, $0x38;
	[tilespmem:$0x1FB00] =	vst v63  }
0x3c: {  	_ =	swait.ge [sflag:s20], $0x3900  }
0x3d: {  	[sflag:s20] =	ssyncset.done $0x0  }
0x3e: {  	[sflag:s20] =	ssyncadd.s32 $0xFFFFC700  }
0x3f: {  	[bflag:$0x0] =	sbarrier.arrive $0xFFFF  }
0x40: {  	_ =	swait.ge [sflag:s21], $0x100  }
0x41: {  	[sflag:s21] =	ssyncset.done $0x0  }
0x42: {  	s9 =	simm.s32 $0x0;
	[sflag:s21] =	ssyncadd.s32 $0xFFFFFF00  }
0x43: {  	[tilespmem:s23], [sflag:$0x3] =	stream.indirect.gather [hbm4b:s1+s22], $0x80, s9, s22, $0xb8;
	[tilespmem:$0x1FB00] =	vst v63  }
0x44: {  	_ =	swait.ge [sflag:s26], $0x100  }
0x45: {  	[sflag:s26] =	ssyncset.done $0x0  }
0x46: {  	[sflag:s26] =	ssyncadd.s32 $0xFFFFFF00  }
0x47: {  	[tilespmem:s28], [sflag:$0x4] =	stream.indirect.gather [hbm4b:s1+s22], $0x80, s18, s22, $0xb8;
	[tilespmem:$0x1FB00] =	vst v63  }
0x48: {  	_ =	swait.ge [sflag:s29], $0x4000  }
0x49: {  	[sflag:s29] =	ssyncset.done $0x0  }
0x4a: {  	[sflag:s29] =	ssyncadd.s32 $0xFFFFC000  }
0x4b: {  	[spmem:s2] =	stream.indirect.scatter.add.f32 [tilespmem:s23], [sflag:$0x5], $0x80, s22, s22, $0xb8;
	[tilespmem:$0x1FB00] =	vst v63  }
0x4c: {  	_ =	swait.ge [sflag:s20], $0x4000  }
0x4d: {  	s10 =	sshrl.u32 s17, $0x3;
	[sflag:s20] =	ssyncset.done $0x0  }
0x4e: {  	s3 =	sadd.s32 s5, s10;
	[sflag:s20] =	ssyncadd.s32 $0xFFFFC000  }
0x4f: {  	[tilespmem:s4], [sflag:$0x1] =	stream.linear.gather [hbm4b:s3+s4], $0x100, $0x38;
	[tilespmem:$0x1FB00] =	vst v63  }
0x50: {  	_ =	swait.ge [sflag:s21], $0x100  }
0x51: {  	[sflag:s21] =	ssyncset.done $0x0  }
0x52: {  	[sflag:s21] =	ssyncadd.s32 $0xFFFFFF00  }
0x53: {  	[tilespmem:s23], [sflag:$0x3] =	stream.indirect.gather [hbm4b:s1+s22], $0x80, s4, s22, $0xb8;
	[tilespmem:$0x1FB00] =	vst v63  }
0x54: {  	_ =	swait.ge [sflag:s30], $0x4000  }
0x55: {  	[sflag:s30] =	ssyncset.done $0x0  }
0x56: {  	[sflag:s30] =	ssyncadd.s32 $0xFFFFC000  }
0x57: {  	[spmem:s2] =	stream.indirect.scatter.add.f32 [tilespmem:s28], [sflag:$0x5], $0x80, s31, s22, $0xb8;
	[tilespmem:$0x1FB00] =	vst v63  }
0x58: {  	_ =	swait.ge [sflag:s20], $0x4000  }
0x59: {  	s8 =	sadd.s32 $0x200, s17;
	[sflag:s20] =	ssyncset.done $0x0  }
0x5a: {  	s9 =	sadd.s32 $0x0, s16;
	s3 =	simm.s32 $0x40;
	[sflag:s20] =	ssyncadd.s32 $0xFFFFC000  }
.LBB2_4:
0x5b: {  	[tilespmem:s18], [sflag:$0x2] =	stream.linear.gather [hbm4b:s9+s4], $0x100, $0x38;
	[tilespmem:$0x1FB00] =	vst v63  }
0x5c: {  	s9 =	smov.u32 s3  }
0x5d: {  	p1 =	sne.s32 s3, $0x1340;
	s3 =	sadd.s32 $0x40, s3;
	_ =	swait.ge [sflag:s26], $0x100  }
0x5e: {  	[sflag:s26] =	ssyncset.done $0x0  }
0x5f: {  	[sflag:s26] =	ssyncadd.s32 $0xFFFFFF00  }
0x60: {  	[tilespmem:s28], [sflag:$0x4] =	stream.indirect.gather [hbm4b:s1+s22], $0x80, s18, s22, $0xb8;
	[tilespmem:$0x1FB00] =	vst v63  }
0x61: {  	_ =	swait.ge [sflag:s29], $0x4000  }
0x62: {  	[sflag:s29] =	ssyncset.done $0x0  }
0x63: {  	[sflag:s29] =	ssyncadd.s32 $0xFFFFC000  }
0x64: {  	[spmem:s2] =	stream.indirect.scatter.add.f32 [tilespmem:s23], [sflag:$0x5], $0x80, s22, s22, $0xb8;
	[tilespmem:$0x1FB00] =	vst v63  }
0x65: {  	_ =	swait.ge [sflag:s20], $0x4000  }
0x66: {  	s10 =	sshrl.u32 s8, $0x3;
	[sflag:s20] =	ssyncset.done $0x0  }
0x67: {  	s10 =	sadd.s32 s5, s10;
	[sflag:s20] =	ssyncadd.s32 $0xFFFFC000  }
0x68: {  	[tilespmem:s4], [sflag:$0x1] =	stream.linear.gather [hbm4b:s10+s4], $0x100, $0x38;
	[tilespmem:$0x1FB00] =	vst v63  }
0x69: {  	_ =	swait.ge [sflag:s21], $0x100  }
0x6a: {  	[sflag:s21] =	ssyncset.done $0x0  }
0x6b: {  	[sflag:s21] =	ssyncadd.s32 $0xFFFFFF00  }
0x6c: {  	[tilespmem:s23], [sflag:$0x3] =	stream.indirect.gather [hbm4b:s1+s22], $0x80, s4, s22, $0xb8;
	[tilespmem:$0x1FB00] =	vst v63  }
0x6d: {  	_ =	swait.ge [sflag:s30], $0x4000  }
0x6e: {  	[sflag:s30] =	ssyncset.done $0x0  }
.Ltmp1:
0x6f: {  	[sflag:s30] =	ssyncadd.s32 $0xFFFFC000;
	(pc) =	sbr.rel @p1 .LBB2_4-.Ltmp1, $4  }
0x70: {  	[spmem:s2] =	stream.indirect.scatter.add.f32 [tilespmem:s28], [sflag:$0x5], $0x80, s31, s22, $0xb8;
	[tilespmem:$0x1FB00] =	vst v63  }
0x71: {  	_ =	swait.ge [sflag:s20], $0x4000  }
0x72: {  	[sflag:s20] =	ssyncset.done $0x0  }
0x73: {  	s8 =	sadd.s32 $0x200, s8;
	s9 =	sadd.s32 s9, s16;
	[sflag:s20] =	ssyncadd.s32 $0xFFFFC000  }
0x74: {  	[tilespmem:s18], [sflag:$0x2] =	stream.linear.gather [hbm4b:s9+s4], $0x100, $0x38;
	[tilespmem:$0x1FB00] =	vst v63  }
0x75: {  	_ =	swait.ge [sflag:s26], $0x100  }
0x76: {  	[sflag:s26] =	ssyncset.done $0x0  }
0x77: {  	[sflag:s26] =	ssyncadd.s32 $0xFFFFFF00  }
0x78: {  	[tilespmem:s28], [sflag:$0x4] =	stream.indirect.gather [hbm4b:s1+s22], $0x80, s18, s22, $0xb8;
	[tilespmem:$0x1FB00] =	vst v63  }
0x79: {  	_ =	swait.ge [sflag:s29], $0x4000  }
0x7a: {  	[sflag:s29] =	ssyncset.done $0x0  }
0x7b: {  	[sflag:s29] =	ssyncadd.s32 $0xFFFFC000  }
0x7c: {  	[spmem:s2] =	stream.indirect.scatter.add.f32 [tilespmem:s23], [sflag:$0x5], $0x80, s22, s22, $0xb8;
	[tilespmem:$0x1FB00] =	vst v63  }
0x7d: {  	_ =	swait.ge [sflag:s20], $0x4000  }
0x7e: {  	[sflag:s20] =	ssyncset.done $0x0  }
0x7f: {  	[sflag:s20] =	ssyncadd.s32 $0xFFFFC000  }
0x80: {  	_ =	swait.ge [sflag:s30], $0x4000  }
0x81: {  	[sflag:s30] =	ssyncset.done $0x0  }
0x82: {  	[sflag:s30] =	ssyncadd.s32 $0xFFFFC000  }
0x83: {  	[spmem:s2] =	stream.indirect.scatter.add.f32 [tilespmem:s28], [sflag:$0x5], $0x80, s31, s22, $0xb8;
	[tilespmem:$0x1FB00] =	vst v63  }
0x84: {  	_ =	swait.ge [sflag:s20], $0x4000  }
0x85: {  	[sflag:s20] =	ssyncset.done $0x0  }
0x86: {  	[sflag:s20] =	ssyncadd.s32 $0xFFFFC000  }
0x87: {  	s3 =	simm.s32 @p0 $0x1FC5;
	[bflag:$0x0] =	sbarrier.arrive $0xFFFF  }
0x88: {  	[hbm:s14], [sflag:s3] =	dma.local @p0 [spmem:s24], $0x2800  }
0x89: {  	s3 =	simm.s32 @p0 $0x5  }
0x8a: {  	s8 =	stileid.u32;
	_ =	swait.ge @p0 [sflag:s3], $0x2800  }
0x8b: {  	s0 =	sadd.s32 $0x1, s0;
	s8 =	sshll.u32 @!p0 s8, $0x6;
	[sflag:s3] =	ssyncset.done @p0 $0x0  }
0x8c: {  	p1 =	sne.s32 s0, s15;
	[sflag:s3] =	ssyncadd.s32 @p0 $0xFFFFD800;
	s3 =	sor.u32 @!p0 $0x1C05, s8  }
0x8d: {  	[hbm:s13], [sflag:s3] =	dma.local @!p0 [spmem:s25], $0x2700  }
.Ltmp2:
0x8e: {  	_ = 	snop;
	(pc) =	sbr.rel @p1 .LBB2_1-.Ltmp2, $4  }
0x8f: {  	s3 =	simm.s32 @!p0 $0x5  }
0x90: {  	_ =	swait.ge @!p0 [sflag:s3], $0x2700  }
0x91: {  	[sflag:s3] =	ssyncset.done @!p0 $0x0  }
0x92: {  	[sflag:s3] =	ssyncadd.s32 @!p0 $0xFFFFD900  }
0x93: {  	_ =	sfence.sel $0x180000  }
0x94: {  	[bflag:$0x0] =	sbarrier.arrive $0xFFFF  }
0x95: {  	_ =	strace $0x90000047  }
0x96: {  	s0 =	stileid.u32;
	[bflag:$0x2] =	sbarrier.arrive $0xFFFF  }
0x97: {  	p0 =	sne.s32 s0, $0x0;
	s0 =	rddreg [dreg:$0x3]  }
0x98: {  	s0 =	sadd.s32 @!p0 $0x100000, s0  }
0x99: {  	[sflag:s0] =	ssyncadd.tile.s32 @!p0 $0x1;
	_ =	shalt  }
.Lfunc_end2:
_tile_overlayer_lowered:
.L_overlay_start_2:
0x9a: {  	(tag) =	ssettag $0x2  }
0x9b: {  	s0 =	rddreg [dreg:$0x0];
	s2 =	stileid.u32  }
0x9c: {  	s1 =	rddreg [dreg:$0x1];
	p0 =	sne.s32 s2, $0x0  }
0x9d: {  	s3 =	rddreg [dreg:$0x2];
	[bflag:$0x3] =	sbarrier.arrive $0xFFFF;
	s2 =	simm.s32 @!p0 $0x1C05  }
0x9e: {  	[timem:s3], [sflag:s2] =	dma.local @!p0 [hbm:s0], s1  }
0x9f: {  	s0 =	simm.s32 @!p0 $0x5  }
0xa0: {  	_ =	swait.ge @!p0 [sflag:s0], s1  }
0xa1: {  	s1 =	ssub.s32 @!p0 $0x0, s1;
	[sflag:s0] =	ssyncset.done @!p0 $0x0  }
0xa2: {  	[sflag:s0] =	ssyncadd.s32 @!p0 s1  }
0xa3: {  	[bflag:$0x3] =	sbarrier.arrive $0xFFFF  }
0xa4: {  	_ =	shalt  }

// kernel: kernel.9.cloned.1.call-start
scs
__scs_entry_jumppad:
0x0: {  	(pc) =	sbr.rel $0x88, $3  }
0x1: {  	(tag) =	ssettag $0x0;
	lr =	simm.s32 $0x1  }
0x2: {  	[smem:$0x3F91] =	sst lr;
	_ =	strace $0xD0000000  }
0x3: {  	_ = 	snop  }
0x4: {  	_ = 	snop  }
0x5: {  	_ = 	snop  }
0x6: {  	_ = 	snop  }
0x7: {  	_ = 	snop  }
__scs_overlays_trampoline_lowered:
0x8: {  	[smem:$0x3FA0] =	sst s0  }
0x9: {  	[smem:$0x3FA1] =	sst s1  }
0xa: {  	[smem:$0x3FA2] =	sst s2  }
0xb: {  	[smem:$0x3FA3] =	sst s3  }
0xc: {  	[smem:$0x3FA4] =	sst s4  }
0xd: {  	[smem:$0x3FA5] =	sst s5  }
0xe: {  	[smem:$0x3FA6] =	sst s6  }
0xf: {  	[smem:$0x3FA7] =	sst s7  }
0x10: {  	[smem:$0x3FA8] =	sst s8  }
0x11: {  	[smem:$0x3FA9] =	sst s9;
	s0 =	simm.s32 @!p0 $0x0  }
0x12: {  	s1 =	sld [smem:$0x3F8F];
	s0 =	simm.s32 @p0 $0x1  }
0x13: {  	[smem:$0x3FAA] =	sst s0;
	s0 =	simm.s32 @!p1 $0x0  }
0x14: {  	s2 =	sld [smem:$0x3F8E];
	s0 =	simm.s32 @p1 $0x1  }
0x15: {  	[smem:$0x3FAB] =	sst s0;
	s0 =	simm.s32 @!p2 $0x0  }
0x16: {  	s3 =	sld [smem:$0x3FDB];
	s0 =	simm.s32 @p2 $0x1  }
0x17: {  	s4 =	simm.s32 $0x1BF5;
	[smem:$0x3FAD] =	sst s0  }
0x18: {  	s0 =	sld [smem:$0x3F90];
	_ =	swait.ge [sflag:s4], $0x0  }
0x19: {  	s7 =	sld [smem:$0x3F91]  }
0x1a: {  	s8 =	sadd.s32 $0xFFFFE003, lr  }
0x1b: {  	s9 =	sadd.s32 $0xFFFFFEF7, lr;
	s5 =	simm.s32 $0xFFFFFFFF;
	p2 =	slt.u32 s8, $0xFFFFF086  }
0x1c: {  	p1 =	slt.u32 s9, $0xF7A;
	s5 =	simm.s32 @!p2 $0x0  }
0x1d: {  	s5 =	simm.s32 @p1 $0x1;
	p0 =	seq.s32 s7, s2  }
0x1e: {  	s7 =	smul.u32 @!p0 $0xF7A, s2;
	p2 =	seq.s32 @!p0 s5, $0x0  }
0x1f: {  	s9 =	smul.u32 $0xF7A, s1;
	s8 =	simm.s32 @!p0 $0x1BF5;
	p2 =	por !p2, p0  }
0x20: {  	[sflag:s8] =	ssyncset.s32 @!p0 $0xFFFFF086;
	s6 =	sadd.s32 @!p0 s3, s7;
	s7 =	simm.s32 @!p0 $0x108  }
0x21: {  	s3 =	sadd.s32 s3, s9;
	s6 =	sadd.s32 @!p0 $0x88, s6;
	s7 =	simm.s32 @p2 $0x1082  }
0x22: {  	[simem:s7], [sflag:s8] =	dma.local @!p0 [hbm:s6], $0xF7A  }
0x23: {  	s9 =	sor.u32 $0xD0000000, s2;
	s6 =	simm.s32 $0x108;
	_ =	swait.ge @!p0 [sflag:s8], $0x0  }
0x24: {  	s3 =	sadd.s32 $0x88, s3;
	s6 =	simm.s32 @!p1 $0x1082;
	[sflag:s4] =	ssyncset.s32 $0xFFFFF086  }
0x25: {  	[simem:s6], [sflag:s4] =	dma.local [hbm:s3], $0xF7A  }
0x26: {  	[smem:$0x3F91] =	sst s1;
	(tag) =	ssettag s2;
	_ =	strace s9  }
0x27: {  	s1 =	sld [smem:$0x3FA1]  }
0x28: {  	s2 =	sld [smem:$0x3FA2]  }
0x29: {  	s4 =	sld [smem:$0x3FA4]  }
0x2a: {  	p0 =	seq.s32 s5, $0x0;
	s5 =	sld [smem:$0x3FA5]  }
0x2b: {  	s6 =	sld [smem:$0x3FA6]  }
0x2c: {  	s7 =	sld [smem:$0x3FA7]  }
0x2d: {  	s3 =	simm.s32 $0x108;
	s8 =	sld [smem:$0x3FA8]  }
0x2e: {  	s3 =	simm.s32 @!p0 $0x1082;
	s9 =	sld [smem:$0x3FA9]  }
0x2f: {  	lr =	sadd.s32 s0, s3;
	s0 =	sld [smem:$0x3FA0]  }
0x30: {  	s3 =	sld [smem:$0x3FA3]  }
0x31: {  	[smem:$0x3FAC] =	sst s10  }
0x32: {  	s10 =	sld [smem:$0x3FAA];
	_ =	sdelay $0x3  }
0x33: {  	p0 =	seq.s32 s10, $0x1;
	s10 =	sld [smem:$0x3FAC];
	_ =	sdelay $0x3  }
0x34: {  	[smem:$0x3FAC] =	sst s10  }
0x35: {  	s10 =	sld [smem:$0x3FAB];
	_ =	sdelay $0x3  }
0x36: {  	p1 =	seq.s32 s10, $0x1;
	s10 =	sld [smem:$0x3FAC];
	_ =	sdelay $0x3  }
0x37: {  	[smem:$0x3FAC] =	sst s10  }
0x38: {  	s10 =	sld [smem:$0x3FAD]  }
0x39: {  	_ = 	snop;
	(pc) =	sbr.ind lr, $3  }
0x3a: {  	_ = 	snop  }
0x3b: {  	_ = 	snop  }
0x3c: {  	p2 =	seq.s32 s10, $0x1;
	s10 =	sld [smem:$0x3FAC]  }
0x3d: {  	_ =	shalt  }
0x3e: {  	_ =	shalt  }
0x3f: {  	_ =	shalt  }
0x40: {  	_ =	shalt  }
0x41: {  	_ =	shalt  }
0x42: {  	_ =	shalt  }
0x43: {  	_ =	shalt  }
0x44: {  	_ =	shalt  }
0x45: {  	_ =	shalt  }
0x46: {  	_ =	shalt  }
0x47: {  	_ =	shalt  }
0x48: {  	_ =	shalt  }
0x49: {  	_ =	shalt  }
0x4a: {  	_ =	shalt  }
0x4b: {  	_ =	shalt  }
0x4c: {  	_ =	shalt  }
0x4d: {  	_ =	shalt  }
0x4e: {  	_ =	shalt  }
0x4f: {  	_ =	shalt  }
0x50: {  	_ =	shalt  }
0x51: {  	_ =	shalt  }
0x52: {  	_ =	shalt  }
0x53: {  	_ =	shalt  }
0x54: {  	_ =	shalt  }
0x55: {  	_ =	shalt  }
0x56: {  	_ =	shalt  }
0x57: {  	_ =	shalt  }
0x58: {  	_ =	shalt  }
0x59: {  	_ =	shalt  }
0x5a: {  	_ =	shalt  }
0x5b: {  	_ =	shalt  }
0x5c: {  	_ =	shalt  }
0x5d: {  	_ =	shalt  }
0x5e: {  	_ =	shalt  }
0x5f: {  	_ =	shalt  }
0x60: {  	_ =	shalt  }
0x61: {  	_ =	shalt  }
0x62: {  	_ =	shalt  }
0x63: {  	_ =	shalt  }
0x64: {  	_ =	shalt  }
0x65: {  	_ =	shalt  }
0x66: {  	_ =	shalt  }
0x67: {  	_ =	shalt  }
0x68: {  	_ =	shalt  }
0x69: {  	_ =	shalt  }
0x6a: {  	_ =	shalt  }
0x6b: {  	_ =	shalt  }
0x6c: {  	_ =	shalt  }
0x6d: {  	_ =	shalt  }
0x6e: {  	_ =	shalt  }
0x6f: {  	_ =	shalt  }
0x70: {  	_ =	shalt  }
0x71: {  	_ =	shalt  }
0x72: {  	_ =	shalt  }
0x73: {  	_ =	shalt  }
0x74: {  	_ =	shalt  }
0x75: {  	_ =	shalt  }
0x76: {  	_ =	shalt  }
0x77: {  	_ =	shalt  }
0x78: {  	_ =	shalt  }
0x79: {  	_ =	shalt  }
0x7a: {  	_ =	shalt  }
0x7b: {  	_ =	shalt  }
0x7c: {  	_ =	shalt  }
0x7d: {  	_ =	shalt  }
0x7e: {  	_ =	shalt  }
0x7f: {  	_ =	shalt  }
0x80: {  	_ =	shalt  }
0x81: {  	_ =	shalt  }
0x82: {  	_ =	shalt  }
0x83: {  	_ =	shalt  }
0x84: {  	_ =	shalt  }
0x85: {  	_ =	shalt  }
0x86: {  	_ =	shalt  }
0x87: {  	_ =	shalt  }
.Lfunc_end0:
.L_simem_size_0:
called_computation.1_lowered:
.L_overlay_start_0:
0x88: {  	s2 =	sld [smem:$0x3FD9]  }
0x89: {  	s3 =	sld [smem:$0x3FFE];
	_ =	sdelay $0x1  }
0x8a: {  	s1 =	srdreg.scid  }
0x8b: {  	s0 =	sand.u32 $0x1, s1  }
0x8c: {  	s16 =	sshll.u32 s0, $0xA;
	s2 =	sadd.s32 s3, s2  }
0x8d: {  	s2 =	sadd.s32 s2, s16  }
0x8e: {  	[smem:$0x3FB8] =	sst s2  }
0x8f: {  	_ = 	snop  }
0x90: {  	(tm) =	ssettm $0x1  }
0x91: {  	s17 =	sld [smem:$0x3FFB];
	_ =	sdelay $0x3  }
0x92: {  	_ =	strace s17  }
0x93: {  	s2 =	sld [smem:$0x3FFC];
	_ =	sdelay $0x3  }
0x94: {  	_ =	strace s2  }
0x95: {  	s2 =	sld [smem:$0x3FFD];
	_ =	sdelay $0x3  }
0x96: {  	_ =	strace s2  }
0x97: {  	_ =	strace $0x8FFFFFFF  }
0x98: {  	s18 =	sld [smem:$0x3FDB];
	_ =	sdelay $0x1  }
0x99: {  	s19 =	simm.s32 $_scs_section_size  }
0x9a: {  	s4 =	simm.s32 $_size__tile_overlayer_lowered;
	s5 =	simm.s32 $_tile_overlayer_lowered  }
0x9b: {  	s22 =	simm.s32 $0x1BFF;
	s21 =	sshll.u32 s5, $0x1;
	s2 =	sadd.s32 s19, s18  }
0x9c: {  	s6 =	simm.s32 $0x0;
	s20 =	sshll.u32 s4, $0x1;
	s4 =	sadd.s32 s21, s2  }
0x9d: {  	[timem:s6], [sflag:s22] =	dma.local [hbm:s4], s20  }
0x9e: {  	_ =	swait.ge [sflag:s22], s20  }
0x9f: {  	s3 =	ssub.s32 $0x0, s20;
	[sflag:s22] =	ssyncset.done $0x0  }
0xa0: {  	[sflag:s22] =	ssyncadd.s32 s3;
	_ =	sdelay $0x1  }
0xa1: {  	s23 =	simm.s32 $0x1B8B  }
0xa2: {  	_ =	swait.ge [sflag:s23], $0x1  }
0xa3: {  	[sflag:s23] =	ssyncset.done $0x0  }
0xa4: {  	s25 =	simm.s32 $0x1B8E;
	s24 =	sld [smem:$0x3FFE];
	[sflag:s23] =	ssyncadd.s32 $0xFFFFFFFF  }
0xa5: {  	s26 =	simm.s32 $execute0_lowered;
	[smem:$0x3FD2] =	sst s25  }
0xa6: {  	s4 =	sshll.u32 s26, $0x1;
	_ =	strace $0x80000049;
	[dreg:$0x1] =	wrdreg $0xFFFFFFFF  }
0xa7: {  	s28 =	simm.s32 $_size_execute0_lowered;
	s2 =	sadd.s32 s2, s4;
	[dreg:$0x0] =	wrdreg $0x0  }
0xa8: {  	s4 =	sshll.u32 s28, $0x1;
	[dreg:$0x2] =	wrdreg s2  }
0xa9: {  	[dreg:$0x3] =	wrdreg s4  }
0xaa: {  	[dreg:$0x4] =	wrdreg $0xC0  }
0xab: {  	_ =	task [dreg:s6], $0x5FFFF  }
0xac: {  	[dreg:$0x1] =	wrdreg $0xFFFFFFFF  }
0xad: {  	[dreg:$0x0] =	wrdreg $0x60  }
0xae: {  	[dreg:$0x2] =	wrdreg s24  }
0xaf: {  	[dreg:$0x3] =	wrdreg $0xC2000  }
0xb0: {  	[dreg:$0x4] =	wrdreg $0x9  }
0xb1: {  	_ =	task.clear_ibuf [dreg:s6], $0x5FFFF;
	_ =	strace $0x90000049  }
0xb2: {  	s29 =	simm.s32 $0x9;
	_ =	strace $0x8000004B  }
0xb3: {  	_ =	swait.ge [sflag:s29], $0x1  }
0xb4: {  	[sflag:s29] =	ssyncadd.s32 $0xFFFFFFFF  }
0xb5: {  	_ =	strace $0x9000004B  }
0xb6: {  	_ =	sfence  }
0xb7: {  	s30 =	sld [smem:$0x0];
	_ =	sdelay $0x2  }
0xb8: {  	s31 =	sshll.u32 s1, $0xD;
	s1 =	sshrl.u32 s1, $0x2  }
0xb9: {  	s3 =	sand.u32 $0x4000, s31;
	s1 =	sadd.s32 s1, s30  }
0xba: {  	s0 =	sor.u32 s3, s0;
	s1 =	sshll.u32 s1, $0x11  }
0xbb: {  	s0 =	sor.u32 s1, s0  }
0xbc: {  	s0 =	sadd.s32 $0x8F2B, s0  }
0xbd: {  	[sflag:s0] =	ssyncadd.remote.s32 $0x1  }
0xbe: {  	_ =	sfence.sel $0xFFFF  }
0xbf: {  	[dreg:$0x0] =	wrdreg $0xFFFFFFFF;
	(pc) =	sbr.abs _section_cstart, $3  }
0xc0: {  	[dreg:$0x1] =	wrdreg $0xFFFFFFFF  }
0xc1: {  	_ =	task.clear_ibuf [dreg:s6], $0x2FFFF;
	_ =	strace $0x9FFFFFFF  }
0xc2: {  	(tm) =	ssettm $0x7FFFFFFF  }
0xc3: {  	_ =	shalt  }
tec
execute0_lowered:
.L_overlay_start_1:
0x0: {  	(tag) =	ssettag $0x1  }
0x1: {  	s0 =	rddreg [dreg:$0x0]  }
0x2: {  	s1 =	rddreg [dreg:$0x1]  }
0x3: {  	s3 =	simm.s32 $0x0;
	s2 =	srdreg.scid;
	s23 =	stileid.u32  }
0x4: {  	s18 =	simm.s32 $0x100;
	s28 =	simm.s32 $0x4200;
	s29 =	simm.s32 $0x3  }
0x5: {  	s30 =	simm.s32 $0x4;
	s31 =	simm.s32 $0x180;
	s7 =	smul.u32 $0x9E00, s23  }
0x6: {  	[smem:$0x7FF] =	sst s3;
	s2 =	sand.u32 $0x1, s2;
	s9 =	smul.u32 $0x4E400, s23  }
0x7: {  	s4 =	sadd.s32 $0x2A000, s0;
	s5 =	sadd.s32 $0x2800, s0;
	s20 =	smul.u32 $0x13800, s23  }
0x8: {  	s0 =	sadd.s32 $0x51200, s0;
	s14 =	smul.u32 $0x4E000, s23;
	p0 =	seq.s32 s23, $0xF  }
0x9: {  	s23 =	simm.s32 $0x200;
	s6 =	smul.u32 $0x9E000, s2;
	s8 =	ssub.s32 $0x2, s2  }
0xa: {  	_ =	strace $0x8000004A;
	s2 =	smul.u32 $0x138800, s2;
	s10 =	sshrl.u32 s8, $0x1  }
0xb: {  	s19 =	sshrl.u32 s9, $0x2;
	s25 =	sshrl.u32 s14, $0x2;
	s17 =	sadd.s32 s7, s6  }
0xc: {  	s7 =	sadd.s32 s19, s1;
	s8 =	ssub.s32 s8, s10;
	s9 =	sadd.s32 s20, s2  }
0xd: {  	s2 =	sshrl.u32 s2, $0x3;
	s19 =	simm.s32 $0x8200;
	s20 =	simm.s32 $0x5  }
0xe: {  	s6 =	sshrl.u32 s17, $0x3;
	s22 =	sadd.s32 $0x4000, s7;
	s24 =	sadd.s32 $0x8000, s7  }
0xf: {  	s11 =	sadd.s32 $0xC000, s7;
	s12 =	sadd.s32 $0x10000, s7;
	s9 =	sshrl.u32 s9, $0x3  }
0x10: {  	s26 =	sadd.s32 $0x300, s17;
	s15 =	smax.u32 s8, $0x1;
	[dreg:$0x4] =	wrdreg s22  }
0x11: {  	s17 =	sadd.s32 $0x200, s17;
	s6 =	sadd.s32 s5, s6;
	[dreg:$0x5] =	wrdreg s24  }
0x12: {  	s13 =	sadd.s32 s0, s9;
	s9 =	sadd.s32 s25, s1;
	s0 =	sadd.s32 s0, s2  }
0x13: {  	s2 =	sshrl.u32 s26, $0x3;
	s22 =	simm.s32 $0x80;
	s26 =	simm.s32 $0x2  }
0x14: {  	s21 =	sadd.s32 $0x20, s6;
	s14 =	sadd.s32 $0x24900, s0;
	s0 =	sadd.s32 $0x124800, s1  }
0x15: {  	s16 =	sadd.s32 s2, s5;
	s25 =	sshrl.u32 @!p0 s9, $0x3;
	[dreg:$0x3] =	wrdreg s21  }
0x16: {  	v0 =	vimm.f32 $0.0e+00;
	s21 =	simm.s32 $0x1;
	s24 =	sshrl.u32 @p0 s0, $0x3;
	s0 =	simm.s32 $0x0  }
.LBB2_1:
0x17: {  	[tilespmem:s3], [sflag:$0x1] =	stream.linear.gather [hbm4b:s6+s3], $0x100, $0x38;
	[tilespmem:$0x1FB00] =	vst v63  }
0x18: {  	s2 =	rddreg [dreg:$0x3]  }
0x19: {  	[tilespmem:s18], [sflag:$0x2] =	stream.linear.gather [hbm4b:s2+s3], $0x100, $0x38;
	[tilespmem:$0x1FB00] =	vst v63  }
0x1a: {  	s8 =	simm.s32 $0x200;
	s2 =	simm.s32 $0x0  }
.LBB2_2:
0x1b: {  	p1 =	sne.s32 s8, $0xFE00;
	[tilespmem:s2+$0x8270] =	vst v0  }
0x1c: {  	[tilespmem:s2+$0x8200] =	vst v0  }
0x1d: {  	[tilespmem:s2+$0x8210] =	vst v0  }
.Ltmp0:
0x1e: {  	[tilespmem:s2+$0x8220] =	vst v0;
	(pc) =	sbr.rel @p1 .LBB2_2-.Ltmp0, $4  }
0x1f: {  	[tilespmem:s2+$0x8230] =	vst v0  }
0x20: {  	[tilespmem:s2+$0x8240] =	vst v0  }
0x21: {  	[tilespmem:s2+$0x8250] =	vst v0  }
0x22: {  	[tilespmem:s2+$0x8260] =	vst v0;
	s2 =	sshra.s32 s8, $0x2;
	s8 =	sadd.s32 $0x200, s8  }
0x23: {  	[tilespmem:s2+$0x8270] =	vst v0  }
0x24: {  	[tilespmem:s2+$0x8200] =	vst v0  }
0x25: {  	[tilespmem:s2+$0x8210] =	vst v0  }
0x26: {  	[tilespmem:s2+$0x8220] =	vst v0  }
0x27: {  	[tilespmem:s2+$0x8230] =	vst v0  }
0x28: {  	[tilespmem:s2+$0x8240] =	vst v0  }
0x29: {  	[tilespmem:s2+$0x8250] =	vst v0  }
0x2a: {  	[tilespmem:s2+$0x8260] =	vst v0  }
0x2b: {  	[spmem:s7] =	stream.linear.scatter [tilespmem:s19], [sflag:$0x5], $0x4000, $0x38;
	[tilespmem:$0x1FB00] =	vst v63  }
0x2c: {  	_ =	swait.ge [sflag:s20], $0x4000  }
0x2d: {  	[sflag:s20] =	ssyncset.done $0x0  }
0x2e: {  	s10 =	rddreg [dreg:$0x4];
	[sflag:s20] =	ssyncadd.s32 $0xFFFFC000  }
0x2f: {  	[spmem:s10] =	stream.linear.scatter [tilespmem:s19], [sflag:$0x5], $0x4000, $0x38;
	[tilespmem:$0x1FB00] =	vst v63  }
0x30: {  	_ =	swait.ge [sflag:s20], $0x4000  }
0x31: {  	[sflag:s20] =	ssyncset.done $0x0  }
0x32: {  	s8 =	rddreg [dreg:$0x5];
	[sflag:s20] =	ssyncadd.s32 $0xFFFFC000  }
0x33: {  	[spmem:s8] =	stream.linear.scatter [tilespmem:s19], [sflag:$0x5], $0x4000, $0x38;
	[tilespmem:$0x1FB00] =	vst v63  }
0x34: {  	_ =	swait.ge [sflag:s20], $0x4000  }
0x35: {  	[sflag:s20] =	ssyncset.done $0x0  }
0x36: {  	[sflag:s20] =	ssyncadd.s32 $0xFFFFC000  }
0x37: {  	[spmem:s11] =	stream.linear.scatter [tilespmem:s19], [sflag:$0x5], $0x4000, $0x38;
	[tilespmem:$0x1FB00] =	vst v63  }
0x38: {  	_ =	swait.ge [sflag:s20], $0x4000  }
0x39: {  	[sflag:s20] =	ssyncset.done $0x0  }
0x3a: {  	[sflag:s20] =	ssyncadd.s32 $0xFFFFC000  }
0x3b: {  	[spmem:s12] =	stream.linear.scatter [tilespmem:s19], [sflag:$0x5], $0x3900, $0x38;
	[tilespmem:$0x1FB00] =	vst v63  }
0x3c: {  	_ =	swait.ge [sflag:s20], $0x3900  }
0x3d: {  	[sflag:s20] =	ssyncset.done $0x0  }
0x3e: {  	[sflag:s20] =	ssyncadd.s32 $0xFFFFC700  }
0x3f: {  	[bflag:$0x0] =	sbarrier.arrive $0xFFFF  }
0x40: {  	_ =	swait.ge [sflag:s21], $0x100  }
0x41: {  	[sflag:s21] =	ssyncset.done $0x0  }
0x42: {  	s9 =	simm.s32 $0x0;
	[sflag:s21] =	ssyncadd.s32 $0xFFFFFF00  }
0x43: {  	[tilespmem:s23], [sflag:$0x3] =	stream.indirect.gather [hbm4b:s4+s22], $0x80, s9, s22, $0xb8;
	[tilespmem:$0x1FB00] =	vst v63  }
0x44: {  	_ =	swait.ge [sflag:s26], $0x100  }
0x45: {  	[sflag:s26] =	ssyncset.done $0x0  }
0x46: {  	[sflag:s26] =	ssyncadd.s32 $0xFFFFFF00  }
0x47: {  	[tilespmem:s28], [sflag:$0x4] =	stream.indirect.gather [hbm4b:s4+s22], $0x80, s18, s22, $0xb8;
	[tilespmem:$0x1FB00] =	vst v63  }
0x48: {  	_ =	swait.ge [sflag:s29], $0x4000  }
0x49: {  	[sflag:s29] =	ssyncset.done $0x0  }
0x4a: {  	[sflag:s29] =	ssyncadd.s32 $0xFFFFC000  }
0x4b: {  	[spmem:s1] =	stream.indirect.scatter.add.f32 [tilespmem:s23], [sflag:$0x5], $0x80, s22, s22, $0xb8;
	[tilespmem:$0x1FB00] =	vst v63  }
0x4c: {  	_ =	swait.ge [sflag:s20], $0x4000  }
0x4d: {  	s10 =	sshrl.u32 s17, $0x3;
	[sflag:s20] =	ssyncset.done $0x0  }
0x4e: {  	s2 =	sadd.s32 s5, s10;
	[sflag:s20] =	ssyncadd.s32 $0xFFFFC000  }
0x4f: {  	[tilespmem:s3], [sflag:$0x1] =	stream.linear.gather [hbm4b:s2+s3], $0x100, $0x38;
	[tilespmem:$0x1FB00] =	vst v63  }
0x50: {  	_ =	swait.ge [sflag:s21], $0x100  }
0x51: {  	[sflag:s21] =	ssyncset.done $0x0  }
0x52: {  	[sflag:s21] =	ssyncadd.s32 $0xFFFFFF00  }
0x53: {  	[tilespmem:s23], [sflag:$0x3] =	stream.indirect.gather [hbm4b:s4+s22], $0x80, s3, s22, $0xb8;
	[tilespmem:$0x1FB00] =	vst v63  }
0x54: {  	_ =	swait.ge [sflag:s30], $0x4000  }
0x55: {  	[sflag:s30] =	ssyncset.done $0x0  }
0x56: {  	[sflag:s30] =	ssyncadd.s32 $0xFFFFC000  }
0x57: {  	[spmem:s1] =	stream.indirect.scatter.add.f32 [tilespmem:s28], [sflag:$0x5], $0x80, s31, s22, $0xb8;
	[tilespmem:$0x1FB00] =	vst v63  }
0x58: {  	_ =	swait.ge [sflag:s20], $0x4000  }
0x59: {  	s8 =	sadd.s32 $0x200, s17;
	[sflag:s20] =	ssyncset.done $0x0  }
0x5a: {  	s9 =	sadd.s32 $0x0, s16;
	s2 =	simm.s32 $0x40;
	[sflag:s20] =	ssyncadd.s32 $0xFFFFC000  }
.LBB2_4:
0x5b: {  	[tilespmem:s18], [sflag:$0x2] =	stream.linear.gather [hbm4b:s9+s3], $0x100, $0x38;
	[tilespmem:$0x1FB00] =	vst v63  }
0x5c: {  	s9 =	smov.u32 s2  }
0x5d: {  	p1 =	sne.s32 s2, $0x1340;
	s2 =	sadd.s32 $0x40, s2;
	_ =	swait.ge [sflag:s26], $0x100  }
0x5e: {  	[sflag:s26] =	ssyncset.done $0x0  }
0x5f: {  	[sflag:s26] =	ssyncadd.s32 $0xFFFFFF00  }
0x60: {  	[tilespmem:s28], [sflag:$0x4] =	stream.indirect.gather [hbm4b:s4+s22], $0x80, s18, s22, $0xb8;
	[tilespmem:$0x1FB00] =	vst v63  }
0x61: {  	_ =	swait.ge [sflag:s29], $0x4000  }
0x62: {  	[sflag:s29] =	ssyncset.done $0x0  }
0x63: {  	[sflag:s29] =	ssyncadd.s32 $0xFFFFC000  }
0x64: {  	[spmem:s1] =	stream.indirect.scatter.add.f32 [tilespmem:s23], [sflag:$0x5], $0x80, s22, s22, $0xb8;
	[tilespmem:$0x1FB00] =	vst v63  }
0x65: {  	_ =	swait.ge [sflag:s20], $0x4000  }
0x66: {  	s10 =	sshrl.u32 s8, $0x3;
	[sflag:s20] =	ssyncset.done $0x0  }
0x67: {  	s10 =	sadd.s32 s5, s10;
	[sflag:s20] =	ssyncadd.s32 $0xFFFFC000  }
0x68: {  	[tilespmem:s3], [sflag:$0x1] =	stream.linear.gather [hbm4b:s10+s3], $0x100, $0x38;
	[tilespmem:$0x1FB00] =	vst v63  }
0x69: {  	_ =	swait.ge [sflag:s21], $0x100  }
0x6a: {  	[sflag:s21] =	ssyncset.done $0x0  }
0x6b: {  	[sflag:s21] =	ssyncadd.s32 $0xFFFFFF00  }
0x6c: {  	[tilespmem:s23], [sflag:$0x3] =	stream.indirect.gather [hbm4b:s4+s22], $0x80, s3, s22, $0xb8;
	[tilespmem:$0x1FB00] =	vst v63  }
0x6d: {  	_ =	swait.ge [sflag:s30], $0x4000  }
0x6e: {  	[sflag:s30] =	ssyncset.done $0x0  }
.Ltmp1:
0x6f: {  	[sflag:s30] =	ssyncadd.s32 $0xFFFFC000;
	(pc) =	sbr.rel @p1 .LBB2_4-.Ltmp1, $4  }
0x70: {  	[spmem:s1] =	stream.indirect.scatter.add.f32 [tilespmem:s28], [sflag:$0x5], $0x80, s31, s22, $0xb8;
	[tilespmem:$0x1FB00] =	vst v63  }
0x71: {  	_ =	swait.ge [sflag:s20], $0x4000  }
0x72: {  	[sflag:s20] =	ssyncset.done $0x0  }
0x73: {  	s8 =	sadd.s32 $0x200, s8;
	s9 =	sadd.s32 s9, s16;
	[sflag:s20] =	ssyncadd.s32 $0xFFFFC000  }
0x74: {  	[tilespmem:s18], [sflag:$0x2] =	stream.linear.gather [hbm4b:s9+s3], $0x100, $0x38;
	[tilespmem:$0x1FB00] =	vst v63  }
0x75: {  	_ =	swait.ge [sflag:s26], $0x100  }
0x76: {  	[sflag:s26] =	ssyncset.done $0x0  }
0x77: {  	[sflag:s26] =	ssyncadd.s32 $0xFFFFFF00  }
0x78: {  	[tilespmem:s28], [sflag:$0x4] =	stream.indirect.gather [hbm4b:s4+s22], $0x80, s18, s22, $0xb8;
	[tilespmem:$0x1FB00] =	vst v63  }
0x79: {  	_ =	swait.ge [sflag:s29], $0x4000  }
0x7a: {  	[sflag:s29] =	ssyncset.done $0x0  }
0x7b: {  	[sflag:s29] =	ssyncadd.s32 $0xFFFFC000  }
0x7c: {  	[spmem:s1] =	stream.indirect.scatter.add.f32 [tilespmem:s23], [sflag:$0x5], $0x80, s22, s22, $0xb8;
	[tilespmem:$0x1FB00] =	vst v63  }
0x7d: {  	_ =	swait.ge [sflag:s20], $0x4000  }
0x7e: {  	[sflag:s20] =	ssyncset.done $0x0  }
0x7f: {  	[sflag:s20] =	ssyncadd.s32 $0xFFFFC000  }
0x80: {  	_ =	swait.ge [sflag:s30], $0x4000  }
0x81: {  	[sflag:s30] =	ssyncset.done $0x0  }
0x82: {  	[sflag:s30] =	ssyncadd.s32 $0xFFFFC000  }
0x83: {  	[spmem:s1] =	stream.indirect.scatter.add.f32 [tilespmem:s28], [sflag:$0x5], $0x80, s31, s22, $0xb8;
	[tilespmem:$0x1FB00] =	vst v63  }
0x84: {  	_ =	swait.ge [sflag:s20], $0x4000  }
0x85: {  	[sflag:s20] =	ssyncset.done $0x0  }
0x86: {  	[sflag:s20] =	ssyncadd.s32 $0xFFFFC000  }
0x87: {  	s2 =	simm.s32 @p0 $0x1FC5;
	[bflag:$0x0] =	sbarrier.arrive $0xFFFF  }
0x88: {  	[hbm:s14], [sflag:s2] =	dma.local @p0 [spmem:s24], $0x2800  }
0x89: {  	s2 =	simm.s32 @p0 $0x5  }
0x8a: {  	s8 =	stileid.u32;
	_ =	swait.ge @p0 [sflag:s2], $0x2800  }
0x8b: {  	s0 =	sadd.s32 $0x1, s0;
	s8 =	sshll.u32 @!p0 s8, $0x6;
	[sflag:s2] =	ssyncset.done @p0 $0x0  }
0x8c: {  	p1 =	sne.s32 s0, s15;
	[sflag:s2] =	ssyncadd.s32 @p0 $0xFFFFD800;
	s2 =	sor.u32 @!p0 $0x1C05, s8  }
0x8d: {  	[hbm:s13], [sflag:s2] =	dma.local @!p0 [spmem:s25], $0x2700  }
.Ltmp2:
0x8e: {  	_ = 	snop;
	(pc) =	sbr.rel @p1 .LBB2_1-.Ltmp2, $4  }
0x8f: {  	s2 =	simm.s32 @!p0 $0x5  }
0x90: {  	_ =	swait.ge @!p0 [sflag:s2], $0x2700  }
0x91: {  	[sflag:s2] =	ssyncset.done @!p0 $0x0  }
0x92: {  	[sflag:s2] =	ssyncadd.s32 @!p0 $0xFFFFD900  }
0x93: {  	_ =	sfence.sel $0x180000  }
0x94: {  	[bflag:$0x0] =	sbarrier.arrive $0xFFFF  }
0x95: {  	_ =	strace $0x9000004A  }
0x96: {  	s0 =	stileid.u32;
	[bflag:$0x2] =	sbarrier.arrive $0xFFFF  }
0x97: {  	p0 =	sne.s32 s0, $0x0;
	s0 =	rddreg [dreg:$0x2]  }
0x98: {  	s0 =	sadd.s32 @!p0 $0x100000, s0  }
0x99: {  	[sflag:s0] =	ssyncadd.tile.s32 @!p0 $0x1;
	_ =	shalt  }
.Lfunc_end2:
_tile_overlayer_lowered:
.L_overlay_start_2:
0x9a: {  	(tag) =	ssettag $0x2  }
0x9b: {  	s0 =	rddreg [dreg:$0x0];
	s2 =	stileid.u32  }
0x9c: {  	s1 =	rddreg [dreg:$0x1];
	p0 =	sne.s32 s2, $0x0  }
0x9d: {  	s3 =	rddreg [dreg:$0x2];
	[bflag:$0x3] =	sbarrier.arrive $0xFFFF;
	s2 =	simm.s32 @!p0 $0x1C05  }
0x9e: {  	[timem:s3], [sflag:s2] =	dma.local @!p0 [hbm:s0], s1  }
0x9f: {  	s0 =	simm.s32 @!p0 $0x5  }
0xa0: {  	_ =	swait.ge @!p0 [sflag:s0], s1  }
0xa1: {  	s1 =	ssub.s32 @!p0 $0x0, s1;
	[sflag:s0] =	ssyncset.done @!p0 $0x0  }
0xa2: {  	[sflag:s0] =	ssyncadd.s32 @!p0 s1  }
0xa3: {  	[bflag:$0x3] =	sbarrier.arrive $0xFFFF  }
0xa4: {  	_ =	shalt  }

</sc_bundles>
